<compile_context>
chip_gen: v7x
topology: tpu7x:2x2x1
jax: 0.10.2.dev20260603
libtpu: 0.0.44.dev20260713+nightly
codegen_flags: <defaults>
</compile_context>

<pallas_src>
import functools

import jax
import jax.numpy as jnp
from jax import lax
from jax.experimental import pallas as pl
from jax.experimental.pallas import tpu as pltpu
from jax.experimental.pallas import tpu_sc as plsc

GNN = 128
RNN = 256
HEADS = 4
CHUNK = 2000
LANES = 16
SC_CORES = 2
SC_SUBCORES = 16
SC_WORKERS = SC_CORES * SC_SUBCORES
MROWS = 80
NPAD = MROWS * GNN


def _sc_multiplicity(edge_index):
    E = edge_index.shape[1]
    tiles = E // 128
    tpw = tiles // SC_WORKERS
    extra = tiles - tpw * SC_WORKERS
    epw = tpw * 128
    mesh = plsc.VectorSubcoreMesh(core_axis_name="c", subcore_axis_name="s")

    @functools.partial(
        pl.kernel,
        out_type=jax.ShapeDtypeStruct((SC_CORES, MROWS, GNN), jnp.float32),
        mesh=mesh,
        scratch_types=[
            pltpu.VMEM((2, epw + 128), jnp.int32),
            pltpu.VMEM((MROWS, GNN), jnp.float32),
            pltpu.VMEM((MROWS,), jnp.int32),
            pltpu.VMEM_SHARED((MROWS, GNN), jnp.float32),
        ],
        compiler_params=pltpu.CompilerParams(needs_layout_passes=False),
    )
    def k(edge_hbm, out_hbm, e_v, m_v, idx_v, shared):
        cid = lax.axis_index("c")
        sid = lax.axis_index("s")
        wid = sid * SC_CORES + cid
        base = wid * epw
        pltpu.sync_copy(edge_hbm.at[:, pl.ds(base, epw)],
                        e_v.at[:, pl.ds(0, epw)])

        @pl.when(wid < extra)
        def _():
            xoff = (SC_WORKERS * tpw + wid) * 128
            pltpu.sync_copy(edge_hbm.at[:, pl.ds(xoff, 128)],
                            e_v.at[:, pl.ds(epw, 128)])

        zeros16 = jnp.zeros((LANES,), jnp.float32)
        iota16 = lax.broadcasted_iota(jnp.int32, (LANES,), 0)

        def zero_body(r, carry):
            for j in range(8):
                m_v[r, pl.ds(j * LANES, LANES)] = zeros16
            return carry

        lax.fori_loop(0, MROWS, zero_body, 0)

        def idx_body(j, carry):
            idx_v[pl.ds(j * LANES, LANES)] = iota16 + j * LANES
            return carry

        lax.fori_loop(0, MROWS // LANES, idx_body, 0)

        @pl.when(sid == 0)
        def _():
            pltpu.sync_copy(m_v, shared)

        plsc.subcore_barrier()

        ones16 = jnp.ones((LANES,), jnp.float32)

        def edge_one(i):
            s16 = e_v[0, pl.ds(i * LANES, LANES)]
            d16 = e_v[1, pl.ds(i * LANES, LANES)]
            plsc.addupdate_scatter(
                m_v, [s16 >> 7, s16 & 127], ones16, mask=d16 == 0)

        plsc.parallel_loop(0, epw // LANES, 1, unroll=8)(edge_one)

        @pl.when(wid < extra)
        def _():
            def edge_fori(i, carry):
                edge_one(i)
                return carry
            lax.fori_loop(epw // LANES, (epw + 128) // LANES, edge_fori, 0)

        pltpu.sync_copy(m_v, shared.at[idx_v], add=True)
        plsc.subcore_barrier()

        @pl.when(sid == 0)
        def _():
            pltpu.sync_copy(shared, out_hbm.at[cid])

    return k(edge_index)


def _tc_body(nf_ref, m_ref, hid_ref, Wenc_ref, benc_ref, Wl_ref, bl_ref,
             Wr_ref, br_ref, Ad_ref, Wlad_ref, blad_ref, gb_ref, Wih_ref,
             bih_ref, Whh_ref, bhh_ref, out_ref,
             xr0_s, c1_s, max_s, den_s, num_s, mcol_s):
    s = pl.program_id(0)
    nch = pl.num_programs(0) - 1

    @pl.when(s == 0)
    def _init():
        max_s[...] = jnp.full_like(max_s, -1e30)
        den_s[...] = jnp.zeros_like(den_s)
        num_s[...] = jnp.zeros_like(num_s)
        mgrid = m_ref[0] + m_ref[1]
        rep = jnp.broadcast_to(mgrid[:, None, :], (MROWS, GNN, GNN))
        rep = rep.reshape(NPAD, GNN)
        lane = lax.broadcasted_iota(jnp.int32, (NPAD, GNN), 1)
        rowm = lax.broadcasted_iota(jnp.int32, (NPAD, GNN), 0) & (GNN - 1)
        mcol = jnp.sum(jnp.where(lane == rowm, rep, 0.0), axis=1, keepdims=True)
        row0 = lax.broadcasted_iota(jnp.int32, (NPAD, 1), 0) == 0
        mcol_s[...] = mcol + jnp.where(row0, 1.0, 0.0)

    @pl.when(s < nch)
    def _scan():
        x = jnp.maximum(
            jnp.dot(nf_ref[...], Wenc_ref[...],
                    preferred_element_type=jnp.float32) + benc_ref[...], 0.0)
        xl = jnp.dot(x, Wl_ref[...],
                     preferred_element_type=jnp.float32) + bl_ref[...]

        @pl.when(s == 0)
        def _():
            xr0 = jnp.dot(x[0:1, :], Wr_ref[...],
                          preferred_element_type=jnp.float32) + br_ref[...]
            xr0_s[...] = xr0
            c1_s[...] = jnp.dot(xr0, Ad_ref[...],
                                preferred_element_type=jnp.float32)

        mc = mcol_s[pl.ds(s * CHUNK, CHUNK), :]

        t1 = jnp.dot(x, Wlad_ref[...],
                     preferred_element_type=jnp.float32) + blad_ref[...]
        v = xl + xr0_s[...]
        t2 = jnp.dot(jnp.abs(v), Ad_ref[...],
                     preferred_element_type=jnp.float32)
        alpha = 0.6 * (t1 + c1_s[...]) + 0.4 * t2
        alpha = jnp.where(mc > 0.0, alpha, -1e30)

        cmax = jnp.max(alpha, axis=0, keepdims=True)
        new_max = jnp.maximum(max_s[...], cmax)
        scale = jnp.exp(max_s[...] - new_max)
        w = mc * jnp.exp(alpha - new_max)
        den_s[...] = den_s[...] * scale + jnp.sum(w, axis=0, keepdims=True)
        dg = lax.dot_general(w, xl, (((0,), (0,)), ((), ())),
                             preferred_element_type=jnp.float32)
        for h in range(HEADS):
            num_s[h:h + 1, :] = num_s[h:h + 1, :] * scale[0:1, h:h + 1] + \
                dg[h:h + 1, h * GNN:(h + 1) * GNN]
        max_s[...] = new_max

    @pl.when(s == nch)
    def _final():
        recip = 1.0 / (den_s[...] + 1e-16)
        acc = jnp.zeros((1, GNN), jnp.float32)
        for h in range(HEADS):
            acc = acc + num_s[h:h + 1, :] * recip[0:1, h:h + 1]
        gat = acc * (1.0 / HEADS) + gb_ref[...]
        gi = jnp.dot(gat, Wih_ref[...],
                     preferred_element_type=jnp.float32) + bih_ref[...]
        gh = jnp.dot(hid_ref[...], Whh_ref[...],
                     preferred_element_type=jnp.float32) + bhh_ref[...]
        r = jax.nn.sigmoid(gi[:, 0:RNN] + gh[:, 0:RNN])
        z = jax.nn.sigmoid(gi[:, RNN:2 * RNN] + gh[:, RNN:2 * RNN])
        n = jnp.tanh(gi[:, 2 * RNN:] + r * gh[:, 2 * RNN:])
        out_ref[...] = (1.0 - z) * n + z * hid_ref[...]


def _tc_call(nf, mgrid, hidden, Wenc, benc, Wl, bl, Wr, br, Ad, Wlad, blad,
             gb, Wih, bih, Whh, bhh, interpret=False):
    N = nf.shape[0]
    nch = N // CHUNK
    grid = nch + 1
    chunk_of = lambda s: jnp.minimum(s, nch - 1)

    full = lambda shp: pl.BlockSpec(shp, lambda s: tuple(0 for _ in shp))
    in_specs = [
        pl.BlockSpec((CHUNK, nf.shape[1]), lambda s: (chunk_of(s), 0)),
        full(mgrid.shape),
        full(hidden.shape),
        full(Wenc.shape), full(benc.shape),
        full(Wl.shape), full(bl.shape),
        full(Wr.shape), full(br.shape),
        full(Ad.shape), full(Wlad.shape), full(blad.shape),
        full(gb.shape),
        full(Wih.shape), full(bih.shape),
        full(Whh.shape), full(bhh.shape),
    ]
    return pl.pallas_call(
        _tc_body,
        grid=(grid,),
        in_specs=in_specs,
        out_specs=full((1, RNN)),
        out_shape=jax.ShapeDtypeStruct((1, RNN), jnp.float32),
        scratch_shapes=[
            pltpu.VMEM((1, HEADS * GNN), jnp.float32),
            pltpu.VMEM((1, HEADS), jnp.float32),
            pltpu.VMEM((1, HEADS), jnp.float32),
            pltpu.VMEM((1, HEADS), jnp.float32),
            pltpu.VMEM((HEADS, GNN), jnp.float32),
            pltpu.VMEM((NPAD, 1), jnp.float32),
        ],
        interpret=interpret,
    )(nf, mgrid, hidden, Wenc, benc, Wl, bl, Wr, br, Ad, Wlad, blad, gb,
      Wih, bih, Whh, bhh)


def kernel(node_features, edge_index, hidden_state, W_enc, b_enc, W_l, b_l,
           W_r, b_r, att, gat_bias, W_ih, b_ih, W_hh, b_hh):
    ei = edge_index
    if ei.dtype != jnp.int32:
        ei = ei.astype(jnp.int32)
    mgrid = _sc_multiplicity(ei)
    Ad = (att[:, :, None] * jnp.eye(HEADS, dtype=att.dtype)[:, None, :]
          ).reshape(HEADS * GNN, HEADS)
    Wlad = W_l @ Ad
    blad = (b_l @ Ad).reshape(1, HEADS)
    row = lambda v: v.reshape(1, -1)
    return _tc_call(node_features, mgrid, hidden_state, W_enc, row(b_enc),
                    W_l, row(b_l), W_r, row(b_r), Ad, Wlad, blad,
                    row(gat_bias), W_ih, row(b_ih), W_hh, row(b_hh))

# --- scband reference (transcript-rebuilt; emitter-appended) ---
"""Pipeline reference for scband-stgatencoder-22471268893020 (READ-ONLY COPY).

The authoritative reference and input builder live on the scoring server;
editing this copy changes nothing except your own understanding.
"""

import jax, jax.numpy as jnp
import numpy as np

GNN_DIM = 128
RNN_DIM = 256
HEADS = 4


def setup_inputs(seed: int = 0) -> dict:
    key = jax.random.key(seed)
    ks = jax.random.split(key, 16)
    N = 10000
    E = 320000
    D = 128
    node_features = jax.random.normal(ks[0], (N, D), dtype=jnp.float32)
    edge_index = jax.random.randint(ks[1], (2, E), 0, N, dtype=jnp.int64)
    hidden_state = jax.random.normal(ks[2], (1, RNN_DIM), dtype=jnp.float32)
    s = 0.05
    W_enc = jax.random.normal(ks[3], (D, GNN_DIM), dtype=jnp.float32) * s
    b_enc = jnp.zeros((GNN_DIM,), dtype=jnp.float32)
    W_l = jax.random.normal(ks[4], (GNN_DIM, HEADS * GNN_DIM), dtype=jnp.float32) * s
    b_l = jnp.zeros((HEADS * GNN_DIM,), dtype=jnp.float32)
    W_r = jax.random.normal(ks[5], (GNN_DIM, HEADS * GNN_DIM), dtype=jnp.float32) * s
    b_r = jnp.zeros((HEADS * GNN_DIM,), dtype=jnp.float32)
    att = jax.random.normal(ks[6], (HEADS, GNN_DIM), dtype=jnp.float32) * s
    gat_bias = jnp.zeros((GNN_DIM,), dtype=jnp.float32)
    W_ih = jax.random.normal(ks[7], (GNN_DIM, 3 * RNN_DIM), dtype=jnp.float32) * s
    b_ih = jnp.zeros((3 * RNN_DIM,), dtype=jnp.float32)
    W_hh = jax.random.normal(ks[8], (RNN_DIM, 3 * RNN_DIM), dtype=jnp.float32) * s
    b_hh = jnp.zeros((3 * RNN_DIM,), dtype=jnp.float32)
    return {
        'node_features': node_features, 'edge_index': edge_index, 'hidden_state': hidden_state,
        'W_enc': W_enc, 'b_enc': b_enc, 'W_l': W_l, 'b_l': b_l, 'W_r': W_r, 'b_r': b_r,
        'att': att, 'gat_bias': gat_bias, 'W_ih': W_ih, 'b_ih': b_ih, 'W_hh': W_hh, 'b_hh': b_hh,
    }


def reference(node_features, edge_index, hidden_state, W_enc, b_enc, W_l, b_l, W_r, b_r, att, gat_bias, W_ih, b_ih, W_hh, b_hh):
    # node encoder + relu
    x = jax.nn.relu(node_features @ W_enc + b_enc)
    N = x.shape[0]
    # GATv2Conv (heads=4, concat=False), PyG default add_self_loops=True; dropout inactive (eval)
    loop = jnp.arange(N, dtype=edge_index.dtype)
    src = jnp.concatenate([edge_index[0], loop])
    dst = jnp.concatenate([edge_index[1], loop])
    x_l = (x @ W_l + b_l).reshape(N, HEADS, GNN_DIM)
    x_r = (x @ W_r + b_r).reshape(N, HEADS, GNN_DIM)
    xj = x_l[src]  # [E, H, C] messages from source
    xi = x_r[dst]
    e = jax.nn.leaky_relu(xj + xi, negative_slope=0.2)
    alpha = jnp.sum(e * att[None, :, :], axis=-1)  # [E, H]
    amax = jax.ops.segment_max(alpha, dst, num_segments=N)
    amax = jnp.where(jnp.isfinite(amax), amax, 0.0)
    alpha = jnp.exp(alpha - amax[dst])
    denom = jax.ops.segment_sum(alpha, dst, num_segments=N)
    alpha = alpha / (denom[dst] + 1e-16)
    out = jax.ops.segment_sum(xj * alpha[:, :, None], dst, num_segments=N)  # [N, H, C]
    gat_output = out.mean(axis=1) + gat_bias  # concat=False -> head mean
    agent = gat_output[0:1, :]  # [1, GNN_DIM]
    # GRUCell
    gi = agent @ W_ih + b_ih
    gh = hidden_state @ W_hh + b_hh
    i_r, i_z, i_n = jnp.split(gi, 3, axis=1)
    h_r, h_z, h_n = jnp.split(gh, 3, axis=1)
    r = jax.nn.sigmoid(i_r + h_r)
    z = jax.nn.sigmoid(i_z + h_z)
    n = jnp.tanh(i_n + r * h_n)
    new_hidden = (1.0 - z) * n + z * hidden_state
    return new_hidden

if __name__ == "__main__":
    import jax
    _d = setup_inputs()
    print(jax.jit(kernel)(*tuple(_d.values())))

</pallas_src>

<mosaic_0001>
#map = affine_map<(d0, d1) -> (0, 0)>
#map1 = affine_map<(d0, d1) -> (0, 0, 0)>
module attributes {stable_mosaic.version = 14 : i64} {
  func.func @k(%arg0: i32, %arg1: i32, %arg2: memref<2x320000xi32, #tpu.memory_space<hbm>>, %arg3: memref<2x80x128xf32, #tpu.memory_space<hbm>>, %arg4: memref<2x10112xi32, #tpu.memory_space<vmem>>, %arg5: memref<80x128xf32, #tpu.memory_space<vmem>>, %arg6: memref<80xi32, #tpu.memory_space<vmem>>, %arg7: memref<80x128xf32, #tpu.memory_space<vmem_shared>>) attributes {dimension_semantics = [#tpu.dimension_semantics<core_parallel>, #tpu.dimension_semantics<subcore_parallel>], iteration_bounds = array<i64: 2, 16>, scalar_prefetch = 0 : i64, scratch_operands = 4 : i64, tpu.core_type = #tpu.core_type<sc_vector_subcore>, window_params = [{transform_indices = #map}, {transform_indices = #map1}]} {
    %mul3A = arith.constant 2 : i32
    %mul3A_0 = arith.muli %arg1, %mul3A : i32
    %add3A = arith.addi %mul3A_0, %arg0 : i32
    %mul3A_1 = arith.constant 9984 : i32
    %mul3A_2 = arith.muli %add3A, %mul3A_1 : i32
    "tpu.region"() ({
      %run_scoped3A = tpu.sem_alloc : memref<!tpu.dma_semaphore, #tpu.memory_space<semaphore_mem>>
      %dma_start3A = arith.constant 0 : i32
      %dma_start3A_36 = arith.constant 0 : i32
      %dma_start3A_37 = tpu.memref_slice %arg4[%dma_start3A, %dma_start3A_36] : memref<2x10112xi32, #tpu.memory_space<vmem>> -> memref<2x9984xi32, #tpu.memory_space<vmem>>
      %dma_start3A_38 = arith.constant 0 : i32
      %dma_start3A_39 = tpu.memref_slice %arg2[%dma_start3A_38, %mul3A_2] : memref<2x320000xi32, #tpu.memory_space<hbm>> -> memref<2x9984xi32, #tpu.memory_space<hbm>>
      %dma_start3A_40 = arith.constant 0 : i32
      %dma_start3A_41 = arith.constant 0 : i32
      %dma_start3A_42 = tpu.memref_slice %arg4[%dma_start3A_40, %dma_start3A_41] : memref<2x10112xi32, #tpu.memory_space<vmem>> -> memref<2x9984xi32, #tpu.memory_space<vmem>>
      %dma_start3A_43 = arith.constant 0 : i32
      %dma_start3A_44 = tpu.memref_slice %arg2[%dma_start3A_43, %mul3A_2] : memref<2x320000xi32, #tpu.memory_space<hbm>> -> memref<2x9984xi32, #tpu.memory_space<hbm>>
      tpu.enqueue_dma source(%dma_start3A_44 : memref<2x9984xi32, #tpu.memory_space<hbm>>) target(%dma_start3A_42 : memref<2x9984xi32, #tpu.memory_space<vmem>>) target_semaphore(%run_scoped3A : memref<!tpu.dma_semaphore, #tpu.memory_space<semaphore_mem>>)
      %dma_wait3A = arith.constant 0 : i32
      %dma_wait3A_45 = arith.constant 0 : i32
      %dma_wait3A_46 = tpu.memref_slice %arg4[%dma_wait3A, %dma_wait3A_45] : memref<2x10112xi32, #tpu.memory_space<vmem>> -> memref<2x9984xi32, #tpu.memory_space<vmem>>
      %dma_wait3A_47 = arith.constant 0 : i32
      %dma_wait3A_48 = tpu.memref_slice %arg2[%dma_wait3A_47, %mul3A_2] : memref<2x320000xi32, #tpu.memory_space<hbm>> -> memref<2x9984xi32, #tpu.memory_space<hbm>>
      %dma_wait3A_49 = arith.constant 0 : i32
      %dma_wait3A_50 = arith.constant 0 : i32
      %dma_wait3A_51 = tpu.memref_slice %arg4[%dma_wait3A_49, %dma_wait3A_50] : memref<2x10112xi32, #tpu.memory_space<vmem>> -> memref<2x9984xi32, #tpu.memory_space<vmem>>
      %dma_wait3A_52 = arith.constant 0 : i32
      %dma_wait3A_53 = tpu.memref_slice %arg2[%dma_wait3A_52, %mul3A_2] : memref<2x320000xi32, #tpu.memory_space<hbm>> -> memref<2x9984xi32, #tpu.memory_space<hbm>>
      tpu.wait_dma2 semaphore(%run_scoped3A : memref<!tpu.dma_semaphore, #tpu.memory_space<semaphore_mem>>) src(%dma_wait3A_53 : memref<2x9984xi32, #tpu.memory_space<hbm>>) dst(%dma_wait3A_51 : memref<2x9984xi32, #tpu.memory_space<vmem>>)
      tpu.yield
    }) : () -> ()
    %lt3A = arith.constant 4 : i32
    %lt3A_3 = arith.cmpi slt, %add3A, %lt3A : i32
    %convert_element_type3A = arith.extui %lt3A_3 : i1 to i32
    %cond3A = arith.constant 0 : i32
    %cond3A_4 = arith.cmpi ne, %convert_element_type3A, %cond3A : i32
    scf.if %cond3A_4 {
      %add3A_36 = arith.constant 2496 : i32
      %add3A_37 = arith.addi %add3A_36, %add3A : i32
      %mul3A_38 = arith.constant 128 : i32
      %mul3A_39 = arith.muli %add3A_37, %mul3A_38 : i32
      "tpu.region"() ({
        %run_scoped3A = tpu.sem_alloc : memref<!tpu.dma_semaphore, #tpu.memory_space<semaphore_mem>>
        %dma_start3A = arith.constant 0 : i32
        %dma_start3A_40 = arith.constant 9984 : i32
        %dma_start3A_41 = tpu.memref_slice %arg4[%dma_start3A, %dma_start3A_40] : memref<2x10112xi32, #tpu.memory_space<vmem>> -> memref<2x128xi32, #tpu.memory_space<vmem>>
        %dma_start3A_42 = arith.constant 0 : i32
        %dma_start3A_43 = tpu.memref_slice %arg2[%dma_start3A_42, %mul3A_39] : memref<2x320000xi32, #tpu.memory_space<hbm>> -> memref<2x128xi32, #tpu.memory_space<hbm>>
        %dma_start3A_44 = arith.constant 0 : i32
        %dma_start3A_45 = arith.constant 9984 : i32
        %dma_start3A_46 = tpu.memref_slice %arg4[%dma_start3A_44, %dma_start3A_45] : memref<2x10112xi32, #tpu.memory_space<vmem>> -> memref<2x128xi32, #tpu.memory_space<vmem>>
        %dma_start3A_47 = arith.constant 0 : i32
        %dma_start3A_48 = tpu.memref_slice %arg2[%dma_start3A_47, %mul3A_39] : memref<2x320000xi32, #tpu.memory_space<hbm>> -> memref<2x128xi32, #tpu.memory_space<hbm>>
        tpu.enqueue_dma source(%dma_start3A_48 : memref<2x128xi32, #tpu.memory_space<hbm>>) target(%dma_start3A_46 : memref<2x128xi32, #tpu.memory_space<vmem>>) target_semaphore(%run_scoped3A : memref<!tpu.dma_semaphore, #tpu.memory_space<semaphore_mem>>)
        %dma_wait3A = arith.constant 0 : i32
        %dma_wait3A_49 = arith.constant 9984 : i32
        %dma_wait3A_50 = tpu.memref_slice %arg4[%dma_wait3A, %dma_wait3A_49] : memref<2x10112xi32, #tpu.memory_space<vmem>> -> memref<2x128xi32, #tpu.memory_space<vmem>>
        %dma_wait3A_51 = arith.constant 0 : i32
        %dma_wait3A_52 = tpu.memref_slice %arg2[%dma_wait3A_51, %mul3A_39] : memref<2x320000xi32, #tpu.memory_space<hbm>> -> memref<2x128xi32, #tpu.memory_space<hbm>>
        %dma_wait3A_53 = arith.constant 0 : i32
        %dma_wait3A_54 = arith.constant 9984 : i32
        %dma_wait3A_55 = tpu.memref_slice %arg4[%dma_wait3A_53, %dma_wait3A_54] : memref<2x10112xi32, #tpu.memory_space<vmem>> -> memref<2x128xi32, #tpu.memory_space<vmem>>
        %dma_wait3A_56 = arith.constant 0 : i32
        %dma_wait3A_57 = tpu.memref_slice %arg2[%dma_wait3A_56, %mul3A_39] : memref<2x320000xi32, #tpu.memory_space<hbm>> -> memref<2x128xi32, #tpu.memory_space<hbm>>
        tpu.wait_dma2 semaphore(%run_scoped3A : memref<!tpu.dma_semaphore, #tpu.memory_space<semaphore_mem>>) src(%dma_wait3A_57 : memref<2x128xi32, #tpu.memory_space<hbm>>) dst(%dma_wait3A_55 : memref<2x128xi32, #tpu.memory_space<vmem>>)
        tpu.yield
      }) : () -> ()
    } else {
    }
    %broadcast_in_dim3A = arith.constant 0.000000e+00 : f32
    %broadcast_in_dim3A_5 = vector.broadcast %broadcast_in_dim3A : f32 to vector<16xf32>
    %iota3A = tpu.iota {dimensions = array<i32: 0>} : vector<16xi32>
    %scan3A = arith.constant 0 : i32
    %scan3A_6 = arith.constant 0 : i32
    %scan3A_7 = arith.constant 80 : i32
    %scan3A_8 = arith.addi %scan3A_6, %scan3A_7 : i32
    %scan3A_9 = arith.constant 1 : i32
    scf.for %scan3A_36 = %scan3A_6 to %scan3A_8 step %scan3A_9  : i32 {
      %swap3A = arith.index_cast %scan3A_36 : i32 to index
      %swap3A_37 = arith.constant 0 : index
      %swap3A_38 = tpu.vector_load %arg5[%swap3A, %swap3A_37] {strides = array<i32>} : memref<80x128xf32, #tpu.memory_space<vmem>>, vector<16xf32>,
      tpu.vector_store %arg5[%swap3A, %swap3A_37], %broadcast_in_dim3A_5 {strides = array<i32>} : memref<80x128xf32, #tpu.memory_space<vmem>>, vector<16xf32>,
      %swap3A_39 = arith.index_cast %scan3A_36 : i32 to index
      %swap3A_40 = arith.constant 16 : index
      %swap3A_41 = tpu.vector_load %arg5[%swap3A_39, %swap3A_40] {strides = array<i32>} : memref<80x128xf32, #tpu.memory_space<vmem>>, vector<16xf32>,
      tpu.vector_store %arg5[%swap3A_39, %swap3A_40], %broadcast_in_dim3A_5 {strides = array<i32>} : memref<80x128xf32, #tpu.memory_space<vmem>>, vector<16xf32>,
      %swap3A_42 = arith.index_cast %scan3A_36 : i32 to index
      %swap3A_43 = arith.constant 32 : index
      %swap3A_44 = tpu.vector_load %arg5[%swap3A_42, %swap3A_43] {strides = array<i32>} : memref<80x128xf32, #tpu.memory_space<vmem>>, vector<16xf32>,
      tpu.vector_store %arg5[%swap3A_42, %swap3A_43], %broadcast_in_dim3A_5 {strides = array<i32>} : memref<80x128xf32, #tpu.memory_space<vmem>>, vector<16xf32>,
      %swap3A_45 = arith.index_cast %scan3A_36 : i32 to index
      %swap3A_46 = arith.constant 48 : index
      %swap3A_47 = tpu.vector_load %arg5[%swap3A_45, %swap3A_46] {strides = array<i32>} : memref<80x128xf32, #tpu.memory_space<vmem>>, vector<16xf32>,
      tpu.vector_store %arg5[%swap3A_45, %swap3A_46], %broadcast_in_dim3A_5 {strides = array<i32>} : memref<80x128xf32, #tpu.memory_space<vmem>>, vector<16xf32>,
      %swap3A_48 = arith.index_cast %scan3A_36 : i32 to index
      %swap3A_49 = arith.constant 64 : index
      %swap3A_50 = tpu.vector_load %arg5[%swap3A_48, %swap3A_49] {strides = array<i32>} : memref<80x128xf32, #tpu.memory_space<vmem>>, vector<16xf32>,
      tpu.vector_store %arg5[%swap3A_48, %swap3A_49], %broadcast_in_dim3A_5 {strides = array<i32>} : memref<80x128xf32, #tpu.memory_space<vmem>>, vector<16xf32>,
      %swap3A_51 = arith.index_cast %scan3A_36 : i32 to index
      %swap3A_52 = arith.constant 80 : index
      %swap3A_53 = tpu.vector_load %arg5[%swap3A_51, %swap3A_52] {strides = array<i32>} : memref<80x128xf32, #tpu.memory_space<vmem>>, vector<16xf32>,
      tpu.vector_store %arg5[%swap3A_51, %swap3A_52], %broadcast_in_dim3A_5 {strides = array<i32>} : memref<80x128xf32, #tpu.memory_space<vmem>>, vector<16xf32>,
      %swap3A_54 = arith.index_cast %scan3A_36 : i32 to index
      %swap3A_55 = arith.constant 96 : index
      %swap3A_56 = tpu.vector_load %arg5[%swap3A_54, %swap3A_55] {strides = array<i32>} : memref<80x128xf32, #tpu.memory_space<vmem>>, vector<16xf32>,
      tpu.vector_store %arg5[%swap3A_54, %swap3A_55], %broadcast_in_dim3A_5 {strides = array<i32>} : memref<80x128xf32, #tpu.memory_space<vmem>>, vector<16xf32>,
      %swap3A_57 = arith.index_cast %scan3A_36 : i32 to index
      %swap3A_58 = arith.constant 112 : index
      %swap3A_59 = tpu.vector_load %arg5[%swap3A_57, %swap3A_58] {strides = array<i32>} : memref<80x128xf32, #tpu.memory_space<vmem>>, vector<16xf32>,
      tpu.vector_store %arg5[%swap3A_57, %swap3A_58], %broadcast_in_dim3A_5 {strides = array<i32>} : memref<80x128xf32, #tpu.memory_space<vmem>>, vector<16xf32>,
    }
    %scan3A_10 = arith.constant 80 : i32
    %scan3A_11 = arith.constant 0 : i32
    %scan3A_12 = arith.constant 0 : i32
    %scan3A_13 = arith.constant 5 : i32
    %scan3A_14 = arith.addi %scan3A_12, %scan3A_13 : i32
    %scan3A_15 = arith.constant 1 : i32
    scf.for %scan3A_36 = %scan3A_12 to %scan3A_14 step %scan3A_15  : i32 {
      %mul3A_37 = arith.constant 16 : i32
      %mul3A_38 = arith.muli %scan3A_36, %mul3A_37 : i32
      %add3A_39 = vector.broadcast %mul3A_38 : i32 to vector<16xi32>
      %add3A_40 = arith.addi %iota3A, %add3A_39 : vector<16xi32>
      %mul3A_41 = arith.constant 16 : i32
      %mul3A_42 = arith.muli %scan3A_36, %mul3A_41 : i32
      %swap3A = arith.index_cast %mul3A_42 : i32 to index
      %swap3A_43 = tpu.vector_load %arg6[%swap3A] {strides = array<i32>} : memref<80xi32, #tpu.memory_space<vmem>>, vector<16xi32>,
      tpu.vector_store %arg6[%swap3A], %add3A_40 {strides = array<i32>} : memref<80xi32, #tpu.memory_space<vmem>>, vector<16xi32>,
    }
    %scan3A_16 = arith.constant 5 : i32
    %eq3A = arith.constant 0 : i32
    %eq3A_17 = arith.cmpi eq, %arg1, %eq3A : i32
    %convert_element_type3A_18 = arith.extui %eq3A_17 : i1 to i32
    %cond3A_19 = arith.constant 0 : i32
    %cond3A_20 = arith.cmpi ne, %convert_element_type3A_18, %cond3A_19 : i32
    scf.if %cond3A_20 {
      "tpu.region"() ({
        %run_scoped3A = tpu.sem_alloc : memref<!tpu.dma_semaphore, #tpu.memory_space<semaphore_mem>>
        tpu.enqueue_dma source(%arg5 : memref<80x128xf32, #tpu.memory_space<vmem>>) target(%arg7 : memref<80x128xf32, #tpu.memory_space<vmem_shared>>) target_semaphore(%run_scoped3A : memref<!tpu.dma_semaphore, #tpu.memory_space<semaphore_mem>>)
        tpu.wait_dma2 semaphore(%run_scoped3A : memref<!tpu.dma_semaphore, #tpu.memory_space<semaphore_mem>>) src(%arg5 : memref<80x128xf32, #tpu.memory_space<vmem>>) dst(%arg7 : memref<80x128xf32, #tpu.memory_space<vmem_shared>>)
        tpu.yield
      }) : () -> ()
    } else {
    }
    %barrier3A = arith.constant 0 : index
    tpu.barrier barrier_id(%barrier3A)
    %broadcast_in_dim3A_21 = arith.constant 1.000000e+00 : f32
    %broadcast_in_dim3A_22 = vector.broadcast %broadcast_in_dim3A_21 : f32 to vector<16xf32>
    %parallel_loop3A = arith.constant 0 : i32
    %parallel_loop3A_23 = arith.constant 624 : i32
    %parallel_loop3A_24 = arith.constant 1 : i32
    scf.for %parallel_loop3A_36 = %parallel_loop3A to %parallel_loop3A_23 step %parallel_loop3A_24  : i32 {
      %parallel_loop3A_37 = arith.constant 16 : i32
      %parallel_loop3A_38 = arith.muli %parallel_loop3A_36, %parallel_loop3A_37 : i32
      %parallel_loop3A_39 = arith.constant 0 : i32
      %parallel_loop3A_40 = arith.index_cast %parallel_loop3A_39 : i32 to index
      %parallel_loop3A_41 = arith.index_cast %parallel_loop3A_38 : i32 to index
      %parallel_loop3A_42 = tpu.vector_load %arg4[%parallel_loop3A_40, %parallel_loop3A_41] {strides = array<i32>} : memref<2x10112xi32, #tpu.memory_space<vmem>>, vector<16xi32>,
      %parallel_loop3A_43 = arith.constant 16 : i32
      %parallel_loop3A_44 = arith.muli %parallel_loop3A_36, %parallel_loop3A_43 : i32
      %parallel_loop3A_45 = arith.constant 1 : i32
      %parallel_loop3A_46 = arith.index_cast %parallel_loop3A_45 : i32 to index
      %parallel_loop3A_47 = arith.index_cast %parallel_loop3A_44 : i32 to index
      %parallel_loop3A_48 = tpu.vector_load %arg4[%parallel_loop3A_46, %parallel_loop3A_47] {strides = array<i32>} : memref<2x10112xi32, #tpu.memory_space<vmem>>, vector<16xi32>,
      %parallel_loop3A_49 = arith.constant 7 : i32
      %parallel_loop3A_50 = vector.broadcast %parallel_loop3A_49 : i32 to vector<16xi32>
      %parallel_loop3A_51 = arith.shrsi %parallel_loop3A_42, %parallel_loop3A_50 : vector<16xi32>
      %parallel_loop3A_52 = arith.constant 127 : i32
      %parallel_loop3A_53 = vector.broadcast %parallel_loop3A_52 : i32 to vector<16xi32>
      %parallel_loop3A_54 = arith.andi %parallel_loop3A_42, %parallel_loop3A_53 : vector<16xi32>
      %parallel_loop3A_55 = arith.constant 0 : i32
      %parallel_loop3A_56 = vector.broadcast %parallel_loop3A_55 : i32 to vector<16xi32>
      %parallel_loop3A_57 = arith.cmpi eq, %parallel_loop3A_48, %parallel_loop3A_56 : vector<16xi32>
      tpu.vector_store_idx %arg5[%parallel_loop3A_51, %parallel_loop3A_54], %broadcast_in_dim3A_22 masked %parallel_loop3A_57 {add = true} : memref<80x128xf32, #tpu.memory_space<vmem>>[vector<16xi32>, vector<16xi32>], vector<16xf32>, vector<16xi1>
    } {sc.loop_unroll_factor = 8 : i64, sc.parallel_access}
    %lt3A_25 = arith.constant 4 : i32
    %lt3A_26 = arith.cmpi slt, %add3A, %lt3A_25 : i32
    %convert_element_type3A_27 = arith.extui %lt3A_26 : i1 to i32
    %cond3A_28 = arith.constant 0 : i32
    %cond3A_29 = arith.cmpi ne, %convert_element_type3A_27, %cond3A_28 : i32
    scf.if %cond3A_29 {
      %scan3A_36 = arith.constant 0 : i32
      %scan3A_37 = arith.constant 624 : i32
      %scan3A_38 = arith.constant 8 : i32
      %scan3A_39 = arith.addi %scan3A_37, %scan3A_38 : i32
      %scan3A_40 = arith.constant 1 : i32
      scf.for %scan3A_42 = %scan3A_37 to %scan3A_39 step %scan3A_40  : i32 {
        %mul3A_43 = arith.constant 16 : i32
        %mul3A_44 = arith.muli %scan3A_42, %mul3A_43 : i32
        %get3A = arith.constant 0 : i32
        %get3A_45 = arith.index_cast %get3A : i32 to index
        %get3A_46 = arith.index_cast %mul3A_44 : i32 to index
        %get3A_47 = tpu.vector_load %arg4[%get3A_45, %get3A_46] {strides = array<i32>} : memref<2x10112xi32, #tpu.memory_space<vmem>>, vector<16xi32>,
        %mul3A_48 = arith.constant 16 : i32
        %mul3A_49 = arith.muli %scan3A_42, %mul3A_48 : i32
        %get3A_50 = arith.constant 1 : i32
        %get3A_51 = arith.index_cast %get3A_50 : i32 to index
        %get3A_52 = arith.index_cast %mul3A_49 : i32 to index
        %get3A_53 = tpu.vector_load %arg4[%get3A_51, %get3A_52] {strides = array<i32>} : memref<2x10112xi32, #tpu.memory_space<vmem>>, vector<16xi32>,
        %shift_right_arithmetic3A = arith.constant 7 : i32
        %shift_right_arithmetic3A_54 = vector.broadcast %shift_right_arithmetic3A : i32 to vector<16xi32>
        %shift_right_arithmetic3A_55 = arith.shrsi %get3A_47, %shift_right_arithmetic3A_54 : vector<16xi32>
        %and3A = arith.constant 127 : i32
        %and3A_56 = vector.broadcast %and3A : i32 to vector<16xi32>
        %and3A_57 = arith.andi %get3A_47, %and3A_56 : vector<16xi32>
        %eq3A_58 = arith.constant 0 : i32
        %eq3A_59 = vector.broadcast %eq3A_58 : i32 to vector<16xi32>
        %eq3A_60 = arith.cmpi eq, %get3A_53, %eq3A_59 : vector<16xi32>
        tpu.vector_store_idx %arg5[%shift_right_arithmetic3A_55, %and3A_57], %broadcast_in_dim3A_22 masked %eq3A_60 {add = true} : memref<80x128xf32, #tpu.memory_space<vmem>>[vector<16xi32>, vector<16xi32>], vector<16xf32>, vector<16xi1>
      }
      %scan3A_41 = arith.constant 8 : i32
    } else {
    }
    "tpu.region"() ({
      %run_scoped3A = tpu.sem_alloc : memref<!tpu.dma_semaphore, #tpu.memory_space<semaphore_mem>>
      %dma_start3A = arith.constant 0 : i32
      %dma_start3A_36 = arith.constant 0 : i32
      %dma_start3A_37 = tpu.memref_slice %arg7[%dma_start3A, %dma_start3A_36] : memref<80x128xf32, #tpu.memory_space<vmem_shared>> -> memref<80x128xf32, #tpu.memory_space<vmem_shared>>
      tpu.enqueue_indirect_dma source(%arg5 : memref<80x128xf32, #tpu.memory_space<vmem>>) target(%dma_start3A_37 : memref<80x128xf32, #tpu.memory_space<vmem_shared>>) offsets(%arg6 : memref<80xi32, #tpu.memory_space<vmem>>) semaphore(%run_scoped3A : memref<!tpu.dma_semaphore, #tpu.memory_space<semaphore_mem>>) {add = true}
      %dma_wait3A = arith.constant 0 : i32
      %dma_wait3A_38 = arith.constant 0 : i32
      %dma_wait3A_39 = tpu.memref_slice %arg7[%dma_wait3A, %dma_wait3A_38] : memref<80x128xf32, #tpu.memory_space<vmem_shared>> -> memref<80x128xf32, #tpu.memory_space<vmem_shared>>
      tpu.wait_indirect_dma semaphore(%run_scoped3A : memref<!tpu.dma_semaphore, #tpu.memory_space<semaphore_mem>>) src(%arg5 : memref<80x128xf32, #tpu.memory_space<vmem>>) dst(%dma_wait3A_39 : memref<80x128xf32, #tpu.memory_space<vmem_shared>>)
      tpu.yield
    }) : () -> ()
    %barrier3A_30 = arith.constant 0 : index
    tpu.barrier barrier_id(%barrier3A_30)
    %eq3A_31 = arith.constant 0 : i32
    %eq3A_32 = arith.cmpi eq, %arg1, %eq3A_31 : i32
    %convert_element_type3A_33 = arith.extui %eq3A_32 : i1 to i32
    %cond3A_34 = arith.constant 0 : i32
    %cond3A_35 = arith.cmpi ne, %convert_element_type3A_33, %cond3A_34 : i32
    scf.if %cond3A_35 {
      "tpu.region"() ({
        %run_scoped3A = tpu.sem_alloc : memref<!tpu.dma_semaphore, #tpu.memory_space<semaphore_mem>>
        %dma_start3A = arith.constant 0 : i32
        %dma_start3A_36 = arith.constant 0 : i32
        %dma_start3A_37 = tpu.memref_slice %arg3[%arg0, %dma_start3A, %dma_start3A_36] : memref<2x80x128xf32, #tpu.memory_space<hbm>> -> memref<1x80x128xf32, #tpu.memory_space<hbm>>
        %dma_start3A_38 = tpu.memref_squeeze %dma_start3A_37 : memref<1x80x128xf32, #tpu.memory_space<hbm>> -> memref<80x128xf32, #tpu.memory_space<hbm>>
        tpu.enqueue_dma source(%arg7 : memref<80x128xf32, #tpu.memory_space<vmem_shared>>) target(%dma_start3A_38 : memref<80x128xf32, #tpu.memory_space<hbm>>) target_semaphore(%run_scoped3A : memref<!tpu.dma_semaphore, #tpu.memory_space<semaphore_mem>>)
        %dma_wait3A = arith.constant 0 : i32
        %dma_wait3A_39 = arith.constant 0 : i32
        %dma_wait3A_40 = tpu.memref_slice %arg3[%arg0, %dma_wait3A, %dma_wait3A_39] : memref<2x80x128xf32, #tpu.memory_space<hbm>> -> memref<1x80x128xf32, #tpu.memory_space<hbm>>
        %dma_wait3A_41 = tpu.memref_squeeze %dma_wait3A_40 : memref<1x80x128xf32, #tpu.memory_space<hbm>> -> memref<80x128xf32, #tpu.memory_space<hbm>>
        tpu.wait_dma2 semaphore(%run_scoped3A : memref<!tpu.dma_semaphore, #tpu.memory_space<semaphore_mem>>) src(%arg7 : memref<80x128xf32, #tpu.memory_space<vmem_shared>>) dst(%dma_wait3A_41 : memref<80x128xf32, #tpu.memory_space<hbm>>)
        tpu.yield
      }) : () -> ()
    } else {
    }
    return
  }
}

module attributes {stable_mosaic.version = 14 : i64} {
  func.func @_tc_body(%arg0: i32, %arg1: memref<2000x128xf32, #tpu.memory_space<vmem>>, %arg2: memref<2x80x128xf32, #tpu.memory_space<vmem>>, %arg3: memref<1x256xf32, #tpu.memory_space<vmem>>, %arg4: memref<128x128xf32, #tpu.memory_space<vmem>>, %arg5: memref<1x128xf32, #tpu.memory_space<vmem>>, %arg6: memref<128x512xf32, #tpu.memory_space<vmem>>, %arg7: memref<1x512xf32, #tpu.memory_space<vmem>>, %arg8: memref<128x512xf32, #tpu.memory_space<vmem>>, %arg9: memref<1x512xf32, #tpu.memory_space<vmem>>, %arg10: memref<512x4xf32, #tpu.memory_space<vmem>>, %arg11: memref<128x4xf32, #tpu.memory_space<vmem>>, %arg12: memref<1x4xf32, #tpu.memory_space<vmem>>, %arg13: memref<1x128xf32, #tpu.memory_space<vmem>>, %arg14: memref<128x768xf32, #tpu.memory_space<vmem>>, %arg15: memref<1x768xf32, #tpu.memory_space<vmem>>, %arg16: memref<256x768xf32, #tpu.memory_space<vmem>>, %arg17: memref<1x768xf32, #tpu.memory_space<vmem>>, %arg18: memref<1x256xf32, #tpu.memory_space<vmem>>, %arg19: memref<1x512xf32, #tpu.memory_space<vmem>>, %arg20: memref<1x4xf32, #tpu.memory_space<vmem>>, %arg21: memref<1x4xf32, #tpu.memory_space<vmem>>, %arg22: memref<1x4xf32, #tpu.memory_space<vmem>>, %arg23: memref<4x128xf32, #tpu.memory_space<vmem>>, %arg24: memref<10240x1xf32, #tpu.memory_space<vmem>>) attributes {dimension_semantics = [#tpu.dimension_semantics<arbitrary>], iteration_bounds = array<i64: 6>, scalar_prefetch = 0 : i64, scratch_operands = 6 : i64, tpu.core_type = #tpu.core_type<tc>, window_params = [{transform_indices = @transform_0, window_bounds = array<i64: 2000, 128>}, {pipeline_mode = #tpu.pipeline_mode<synchronous>, transform_indices = @transform_1, window_bounds = array<i64: 2, 80, 128>}, {pipeline_mode = #tpu.pipeline_mode<synchronous>, transform_indices = @transform_2, window_bounds = array<i64: 1, 256>}, {pipeline_mode = #tpu.pipeline_mode<synchronous>, transform_indices = @transform_3, window_bounds = array<i64: 128, 128>}, {pipeline_mode = #tpu.pipeline_mode<synchronous>, transform_indices = @transform_4, window_bounds = array<i64: 1, 128>}, {pipeline_mode = #tpu.pipeline_mode<synchronous>, transform_indices = @transform_5, window_bounds = array<i64: 128, 512>}, {pipeline_mode = #tpu.pipeline_mode<synchronous>, transform_indices = @transform_6, window_bounds = array<i64: 1, 512>}, {pipeline_mode = #tpu.pipeline_mode<synchronous>, transform_indices = @transform_7, window_bounds = array<i64: 128, 512>}, {pipeline_mode = #tpu.pipeline_mode<synchronous>, transform_indices = @transform_8, window_bounds = array<i64: 1, 512>}, {pipeline_mode = #tpu.pipeline_mode<synchronous>, transform_indices = @transform_9, window_bounds = array<i64: 512, 4>}, {pipeline_mode = #tpu.pipeline_mode<synchronous>, transform_indices = @transform_10, window_bounds = array<i64: 128, 4>}, {pipeline_mode = #tpu.pipeline_mode<synchronous>, transform_indices = @transform_11, window_bounds = array<i64: 1, 4>}, {pipeline_mode = #tpu.pipeline_mode<synchronous>, transform_indices = @transform_12, window_bounds = array<i64: 1, 128>}, {pipeline_mode = #tpu.pipeline_mode<synchronous>, transform_indices = @transform_13, window_bounds = array<i64: 128, 768>}, {pipeline_mode = #tpu.pipeline_mode<synchronous>, transform_indices = @transform_14, window_bounds = array<i64: 1, 768>}, {pipeline_mode = #tpu.pipeline_mode<synchronous>, transform_indices = @transform_15, window_bounds = array<i64: 256, 768>}, {pipeline_mode = #tpu.pipeline_mode<synchronous>, transform_indices = @transform_16, window_bounds = array<i64: 1, 768>}, {pipeline_mode = #tpu.pipeline_mode<synchronous>, transform_indices = @transform_17, window_bounds = array<i64: 1, 256>}]} {
    %eq3A = arith.constant 0 : i32
    %eq3A_0 = arith.cmpi eq, %arg0, %eq3A : i32
    %convert_element_type3A = arith.extui %eq3A_0 : i1 to i32
    %cond3A = arith.constant 0 : i32
    %cond3A_1 = arith.cmpi ne, %convert_element_type3A, %cond3A : i32
    scf.if %cond3A_1 {
      %broadcast_in_dim3A = arith.constant -1.000000e+30 : f32
      %broadcast_in_dim3A_11 = vector.broadcast %broadcast_in_dim3A : f32 to vector<1x4xf32>
      %swap3A = arith.constant 0 : index
      %swap3A_12 = arith.constant 0 : index
      %swap3A_13 = vector.load %arg21[%swap3A, %swap3A_12] : memref<1x4xf32, #tpu.memory_space<vmem>>, vector<1x4xf32>
      tpu.vector_store %arg21[%swap3A, %swap3A_12], %broadcast_in_dim3A_11 {strides = array<i32>} : memref<1x4xf32, #tpu.memory_space<vmem>>, vector<1x4xf32>,
      %broadcast_in_dim3A_14 = arith.constant 0.000000e+00 : f32
      %broadcast_in_dim3A_15 = vector.broadcast %broadcast_in_dim3A_14 : f32 to vector<1x4xf32>
      %swap3A_16 = arith.constant 0 : index
      %swap3A_17 = arith.constant 0 : index
      %swap3A_18 = vector.load %arg22[%swap3A_16, %swap3A_17] : memref<1x4xf32, #tpu.memory_space<vmem>>, vector<1x4xf32>
      tpu.vector_store %arg22[%swap3A_16, %swap3A_17], %broadcast_in_dim3A_15 {strides = array<i32>} : memref<1x4xf32, #tpu.memory_space<vmem>>, vector<1x4xf32>,
      %broadcast_in_dim3A_19 = arith.constant 0.000000e+00 : f32
      %broadcast_in_dim3A_20 = vector.broadcast %broadcast_in_dim3A_19 : f32 to vector<4x128xf32>
      %swap3A_21 = arith.constant 0 : index
      %swap3A_22 = arith.constant 0 : index
      %swap3A_23 = vector.load %arg23[%swap3A_21, %swap3A_22] : memref<4x128xf32, #tpu.memory_space<vmem>>, vector<4x128xf32>
      tpu.vector_store %arg23[%swap3A_21, %swap3A_22], %broadcast_in_dim3A_20 {strides = array<i32>} : memref<4x128xf32, #tpu.memory_space<vmem>>, vector<4x128xf32>,
      %get3A = arith.constant 0 : index
      %get3A_24 = arith.constant 0 : index
      %get3A_25 = arith.constant 0 : index
      %get3A_26 = vector.load %arg2[%get3A, %get3A_24, %get3A_25] : memref<2x80x128xf32, #tpu.memory_space<vmem>>, vector<1x80x128xf32>
      %get3A_27 = vector.shape_cast %get3A_26 : vector<1x80x128xf32> to vector<80x128xf32>
      %get3A_28 = arith.constant 1 : index
      %get3A_29 = arith.constant 0 : index
      %get3A_30 = arith.constant 0 : index
      %get3A_31 = vector.load %arg2[%get3A_28, %get3A_29, %get3A_30] : memref<2x80x128xf32, #tpu.memory_space<vmem>>, vector<1x80x128xf32>
      %get3A_32 = vector.shape_cast %get3A_31 : vector<1x80x128xf32> to vector<80x128xf32>
      %add3A = arith.addf %get3A_27, %get3A_32 : vector<80x128xf32>
      %broadcast_in_dim3A_33 = vector.shape_cast %add3A : vector<80x128xf32> to vector<80x1x128xf32>
      %broadcast_in_dim3A_34 = vector.shape_cast %broadcast_in_dim3A_33 : vector<80x1x128xf32> to vector<80x1x128xf32>
      %broadcast_in_dim3A_35 = vector.broadcast %broadcast_in_dim3A_34 : vector<80x1x128xf32> to vector<80x128x128xf32>
      %reshape3A = vector.shape_cast %broadcast_in_dim3A_35 : vector<80x128x128xf32> to vector<10240x128xf32>
      %iota3A = tpu.iota {dimensions = array<i32: 1>} : vector<10240x128xi32>
      %iota3A_36 = tpu.iota {dimensions = array<i32: 0>} : vector<10240x128xi32>
      %and3A = arith.constant 127 : i32
      %and3A_37 = vector.broadcast %and3A : i32 to vector<10240x128xi32>
      %and3A_38 = arith.andi %iota3A_36, %and3A_37 : vector<10240x128xi32>
      %eq3A_39 = arith.cmpi eq, %iota3A, %and3A_38 : vector<10240x128xi32>
      %jit3A = arith.constant 0.000000e+00 : f32
      %broadcast_in_dim3A_40 = vector.broadcast %jit3A : f32 to vector<10240x128xf32>
      %select_n3A = arith.select %eq3A_39, %reshape3A, %broadcast_in_dim3A_40 : vector<10240x128xi1>, vector<10240x128xf32>
      %reduce_sum3A = arith.constant dense<0.000000e+00> : vector<10240xf32>
      %reduce_sum3A_41 = vector.multi_reduction <add>, %select_n3A, %reduce_sum3A [1] : vector<10240x128xf32> to vector<10240xf32>
      %broadcast_in_dim3A_42 = vector.shape_cast %reduce_sum3A_41 : vector<10240xf32> to vector<10240x1xf32>
      %iota3A_43 = tpu.iota {dimensions = array<i32: 0>} : vector<10240x1xi32>
      %eq3A_44 = arith.constant 0 : i32
      %eq3A_45 = vector.broadcast %eq3A_44 : i32 to vector<10240x1xi32>
      %eq3A_46 = arith.cmpi eq, %iota3A_43, %eq3A_45 : vector<10240x1xi32>
      %jit3A_47 = arith.constant 1.000000e+00 : f32
      %jit3A_48 = arith.constant 0.000000e+00 : f32
      %broadcast_in_dim3A_49 = vector.broadcast %jit3A_47 : f32 to vector<10240x1xf32>
      %broadcast_in_dim3A_50 = vector.broadcast %jit3A_48 : f32 to vector<10240x1xf32>
      %select_n3A_51 = arith.select %eq3A_46, %broadcast_in_dim3A_49, %broadcast_in_dim3A_50 : vector<10240x1xi1>, vector<10240x1xf32>
      %add3A_52 = arith.addf %broadcast_in_dim3A_42, %select_n3A_51 : vector<10240x1xf32>
      %swap3A_53 = arith.constant 0 : index
      %swap3A_54 = arith.constant 0 : index
      %swap3A_55 = vector.load %arg24[%swap3A_53, %swap3A_54] : memref<10240x1xf32, #tpu.memory_space<vmem>>, vector<10240x1xf32>
      tpu.vector_store %arg24[%swap3A_53, %swap3A_54], %add3A_52 {strides = array<i32>} : memref<10240x1xf32, #tpu.memory_space<vmem>>, vector<10240x1xf32>,
    } else {
    }
    %lt3A = arith.constant 5 : i32
    %lt3A_2 = arith.cmpi slt, %arg0, %lt3A : i32
    %convert_element_type3A_3 = arith.extui %lt3A_2 : i1 to i32
    %cond3A_4 = arith.constant 0 : i32
    %cond3A_5 = arith.cmpi ne, %convert_element_type3A_3, %cond3A_4 : i32
    scf.if %cond3A_5 {
      %get3A = arith.constant 0 : index
      %get3A_11 = arith.constant 0 : index
      %get3A_12 = vector.load %arg1[%get3A, %get3A_11] : memref<2000x128xf32, #tpu.memory_space<vmem>>, vector<2000x128xf32>
      %get3A_13 = arith.constant 0 : index
      %get3A_14 = arith.constant 0 : index
      %get3A_15 = vector.load %arg4[%get3A_13, %get3A_14] : memref<128x128xf32, #tpu.memory_space<vmem>>, vector<128x128xf32>
      %dot_general3A = arith.constant dense<0.000000e+00> : vector<2000x128xf32>
      %dot_general3A_16 = tpu.matmul %get3A_12, %get3A_15, %dot_general3A {dimension_numbers = #tpu.dot_dimension_numbers<[1], [0], [0], [1], [0, 0, 1, 1], [], []>, transpose_lhs_hint = false} : vector<2000x128xf32>, vector<128x128xf32>, vector<2000x128xf32> -> vector<2000x128xf32>
      %get3A_17 = arith.constant 0 : index
      %get3A_18 = arith.constant 0 : index
      %get3A_19 = vector.load %arg5[%get3A_17, %get3A_18] : memref<1x128xf32, #tpu.memory_space<vmem>>, vector<1x128xf32>
      %add3A = vector.broadcast %get3A_19 : vector<1x128xf32> to vector<2000x128xf32>
      %add3A_20 = arith.addf %dot_general3A_16, %add3A : vector<2000x128xf32>
      %max3A = arith.constant 0.000000e+00 : f32
      %max3A_21 = vector.broadcast %max3A : f32 to vector<2000x128xf32>
      %max3A_22 = arith.maximumf %add3A_20, %max3A_21 : vector<2000x128xf32>
      %get3A_23 = arith.constant 0 : index
      %get3A_24 = arith.constant 0 : index
      %get3A_25 = vector.load %arg6[%get3A_23, %get3A_24] : memref<128x512xf32, #tpu.memory_space<vmem>>, vector<128x512xf32>
      %dot_general3A_26 = arith.constant dense<0.000000e+00> : vector<2000x512xf32>
      %dot_general3A_27 = tpu.matmul %max3A_22, %get3A_25, %dot_general3A_26 {dimension_numbers = #tpu.dot_dimension_numbers<[1], [0], [0], [1], [0, 0, 1, 1], [], []>, transpose_lhs_hint = false} : vector<2000x128xf32>, vector<128x512xf32>, vector<2000x512xf32> -> vector<2000x512xf32>
      %get3A_28 = arith.constant 0 : index
      %get3A_29 = arith.constant 0 : index
      %get3A_30 = vector.load %arg7[%get3A_28, %get3A_29] : memref<1x512xf32, #tpu.memory_space<vmem>>, vector<1x512xf32>
      %add3A_31 = vector.broadcast %get3A_30 : vector<1x512xf32> to vector<2000x512xf32>
      %add3A_32 = arith.addf %dot_general3A_27, %add3A_31 : vector<2000x512xf32>
      %eq3A_33 = arith.constant 0 : i32
      %eq3A_34 = arith.cmpi eq, %arg0, %eq3A_33 : i32
      %convert_element_type3A_35 = arith.extui %eq3A_34 : i1 to i32
      %cond3A_36 = arith.constant 0 : i32
      %cond3A_37 = arith.cmpi ne, %convert_element_type3A_35, %cond3A_36 : i32
      scf.if %cond3A_37 {
        %slice3A_149 = vector.extract_strided_slice %max3A_22 {offsets = [0, 0], sizes = [1, 128], strides = [1, 1]} : vector<2000x128xf32> to vector<1x128xf32>
        %get3A_150 = arith.constant 0 : index
        %get3A_151 = arith.constant 0 : index
        %get3A_152 = vector.load %arg8[%get3A_150, %get3A_151] : memref<128x512xf32, #tpu.memory_space<vmem>>, vector<128x512xf32>
        %dot_general3A_153 = arith.constant dense<0.000000e+00> : vector<1x512xf32>
        %dot_general3A_154 = tpu.matmul %slice3A_149, %get3A_152, %dot_general3A_153 {dimension_numbers = #tpu.dot_dimension_numbers<[1], [0], [0], [1], [0, 0, 1, 1], [], []>, transpose_lhs_hint = false} : vector<1x128xf32>, vector<128x512xf32>, vector<1x512xf32> -> vector<1x512xf32>
        %get3A_155 = arith.constant 0 : index
        %get3A_156 = arith.constant 0 : index
        %get3A_157 = vector.load %arg9[%get3A_155, %get3A_156] : memref<1x512xf32, #tpu.memory_space<vmem>>, vector<1x512xf32>
        %add3A_158 = arith.addf %dot_general3A_154, %get3A_157 : vector<1x512xf32>
        %swap3A_159 = arith.constant 0 : index
        %swap3A_160 = arith.constant 0 : index
        %swap3A_161 = vector.load %arg19[%swap3A_159, %swap3A_160] : memref<1x512xf32, #tpu.memory_space<vmem>>, vector<1x512xf32>
        tpu.vector_store %arg19[%swap3A_159, %swap3A_160], %add3A_158 {strides = array<i32>} : memref<1x512xf32, #tpu.memory_space<vmem>>, vector<1x512xf32>,
        %get3A_162 = arith.constant 0 : index
        %get3A_163 = arith.constant 0 : index
        %get3A_164 = vector.load %arg10[%get3A_162, %get3A_163] : memref<512x4xf32, #tpu.memory_space<vmem>>, vector<512x4xf32>
        %dot_general3A_165 = arith.constant dense<0.000000e+00> : vector<1x4xf32>
        %dot_general3A_166 = tpu.matmul %add3A_158, %get3A_164, %dot_general3A_165 {dimension_numbers = #tpu.dot_dimension_numbers<[1], [0], [0], [1], [0, 0, 1, 1], [], []>, transpose_lhs_hint = false} : vector<1x512xf32>, vector<512x4xf32>, vector<1x4xf32> -> vector<1x4xf32>
        %swap3A_167 = arith.constant 0 : index
        %swap3A_168 = arith.constant 0 : index
        %swap3A_169 = vector.load %arg20[%swap3A_167, %swap3A_168] : memref<1x4xf32, #tpu.memory_space<vmem>>, vector<1x4xf32>
        tpu.vector_store %arg20[%swap3A_167, %swap3A_168], %dot_general3A_166 {strides = array<i32>} : memref<1x4xf32, #tpu.memory_space<vmem>>, vector<1x4xf32>,
      } else {
      }
      %mul3A = arith.constant 2000 : i32
      %mul3A_38 = arith.muli %arg0, %mul3A : i32
      %get3A_39 = arith.index_cast %mul3A_38 : i32 to index
      %get3A_40 = arith.constant 0 : index
      %get3A_41 = vector.load %arg24[%get3A_39, %get3A_40] : memref<10240x1xf32, #tpu.memory_space<vmem>>, vector<2000x1xf32>
      %get3A_42 = arith.constant 0 : index
      %get3A_43 = arith.constant 0 : index
      %get3A_44 = vector.load %arg11[%get3A_42, %get3A_43] : memref<128x4xf32, #tpu.memory_space<vmem>>, vector<128x4xf32>
      %dot_general3A_45 = arith.constant dense<0.000000e+00> : vector<2000x4xf32>
      %dot_general3A_46 = tpu.matmul %max3A_22, %get3A_44, %dot_general3A_45 {dimension_numbers = #tpu.dot_dimension_numbers<[1], [0], [0], [1], [0, 0, 1, 1], [], []>, transpose_lhs_hint = false} : vector<2000x128xf32>, vector<128x4xf32>, vector<2000x4xf32> -> vector<2000x4xf32>
      %get3A_47 = arith.constant 0 : index
      %get3A_48 = arith.constant 0 : index
      %get3A_49 = vector.load %arg12[%get3A_47, %get3A_48] : memref<1x4xf32, #tpu.memory_space<vmem>>, vector<1x4xf32>
      %add3A_50 = vector.broadcast %get3A_49 : vector<1x4xf32> to vector<2000x4xf32>
      %add3A_51 = arith.addf %dot_general3A_46, %add3A_50 : vector<2000x4xf32>
      %get3A_52 = arith.constant 0 : index
      %get3A_53 = arith.constant 0 : index
      %get3A_54 = vector.load %arg19[%get3A_52, %get3A_53] : memref<1x512xf32, #tpu.memory_space<vmem>>, vector<1x512xf32>
      %add3A_55 = vector.broadcast %get3A_54 : vector<1x512xf32> to vector<2000x512xf32>
      %add3A_56 = arith.addf %add3A_32, %add3A_55 : vector<2000x512xf32>
      %abs3A = math.absf %add3A_56 : vector<2000x512xf32>
      %get3A_57 = arith.constant 0 : index
      %get3A_58 = arith.constant 0 : index
      %get3A_59 = vector.load %arg10[%get3A_57, %get3A_58] : memref<512x4xf32, #tpu.memory_space<vmem>>, vector<512x4xf32>
      %dot_general3A_60 = arith.constant dense<0.000000e+00> : vector<2000x4xf32>
      %dot_general3A_61 = tpu.matmul %abs3A, %get3A_59, %dot_general3A_60 {dimension_numbers = #tpu.dot_dimension_numbers<[1], [0], [0], [1], [0, 0, 1, 1], [], []>, transpose_lhs_hint = false} : vector<2000x512xf32>, vector<512x4xf32>, vector<2000x4xf32> -> vector<2000x4xf32>
      %get3A_62 = arith.constant 0 : index
      %get3A_63 = arith.constant 0 : index
      %get3A_64 = vector.load %arg20[%get3A_62, %get3A_63] : memref<1x4xf32, #tpu.memory_space<vmem>>, vector<1x4xf32>
      %add3A_65 = vector.broadcast %get3A_64 : vector<1x4xf32> to vector<2000x4xf32>
      %add3A_66 = arith.addf %add3A_51, %add3A_65 : vector<2000x4xf32>
      %mul3A_67 = arith.constant 6.000000e-01 : f32
      %mul3A_68 = vector.broadcast %mul3A_67 : f32 to vector<2000x4xf32>
      %mul3A_69 = arith.mulf %mul3A_68, %add3A_66 : vector<2000x4xf32>
      %mul3A_70 = arith.constant 4.000000e-01 : f32
      %mul3A_71 = vector.broadcast %mul3A_70 : f32 to vector<2000x4xf32>
      %mul3A_72 = arith.mulf %mul3A_71, %dot_general3A_61 : vector<2000x4xf32>
      %add3A_73 = arith.addf %mul3A_69, %mul3A_72 : vector<2000x4xf32>
      %gt3A = arith.constant 0.000000e+00 : f32
      %gt3A_74 = vector.broadcast %gt3A : f32 to vector<2000x1xf32>
      %gt3A_75 = arith.cmpf ogt, %get3A_41, %gt3A_74 : vector<2000x1xf32>
      %jit3A = arith.constant -1.000000e+30 : f32
      %broadcast_in_dim3A = vector.shape_cast %gt3A_75 : vector<2000x1xi1> to vector<2000x1xi1>
      %broadcast_in_dim3A_76 = vector.broadcast %broadcast_in_dim3A : vector<2000x1xi1> to vector<2000x4xi1>
      %broadcast_in_dim3A_77 = vector.broadcast %jit3A : f32 to vector<2000x4xf32>
      %select_n3A = arith.select %broadcast_in_dim3A_76, %add3A_73, %broadcast_in_dim3A_77 : vector<2000x4xi1>, vector<2000x4xf32>
      %reduce_max3A = arith.constant dense<0xFF800000> : vector<4xf32>
      %reduce_max3A_78 = vector.multi_reduction <maximumf>, %select_n3A, %reduce_max3A [0] : vector<2000x4xf32> to vector<4xf32>
      %broadcast_in_dim3A_79 = vector.shape_cast %reduce_max3A_78 : vector<4xf32> to vector<1x4xf32>
      %get3A_80 = arith.constant 0 : index
      %get3A_81 = arith.constant 0 : index
      %get3A_82 = vector.load %arg21[%get3A_80, %get3A_81] : memref<1x4xf32, #tpu.memory_space<vmem>>, vector<1x4xf32>
      %max3A_83 = arith.maximumf %get3A_82, %broadcast_in_dim3A_79 : vector<1x4xf32>
      %get3A_84 = arith.constant 0 : index
      %get3A_85 = arith.constant 0 : index
      %get3A_86 = vector.load %arg21[%get3A_84, %get3A_85] : memref<1x4xf32, #tpu.memory_space<vmem>>, vector<1x4xf32>
      %sub3A = arith.subf %get3A_86, %max3A_83 : vector<1x4xf32>
      %exp3A = math.exp %sub3A : vector<1x4xf32>
      %sub3A_87 = vector.broadcast %max3A_83 : vector<1x4xf32> to vector<2000x4xf32>
      %sub3A_88 = arith.subf %select_n3A, %sub3A_87 : vector<2000x4xf32>
      %exp3A_89 = math.exp %sub3A_88 : vector<2000x4xf32>
      %mul3A_90 = vector.broadcast %get3A_41 : vector<2000x1xf32> to vector<2000x4xf32>
      %mul3A_91 = arith.mulf %mul3A_90, %exp3A_89 : vector<2000x4xf32>
      %get3A_92 = arith.constant 0 : index
      %get3A_93 = arith.constant 0 : index
      %get3A_94 = vector.load %arg22[%get3A_92, %get3A_93] : memref<1x4xf32, #tpu.memory_space<vmem>>, vector<1x4xf32>
      %mul3A_95 = arith.mulf %get3A_94, %exp3A : vector<1x4xf32>
      %reduce_sum3A = arith.constant dense<0.000000e+00> : vector<4xf32>
      %reduce_sum3A_96 = vector.multi_reduction <add>, %mul3A_91, %reduce_sum3A [0] : vector<2000x4xf32> to vector<4xf32>
      %broadcast_in_dim3A_97 = vector.shape_cast %reduce_sum3A_96 : vector<4xf32> to vector<1x4xf32>
      %add3A_98 = arith.addf %mul3A_95, %broadcast_in_dim3A_97 : vector<1x4xf32>
      %swap3A = arith.constant 0 : index
      %swap3A_99 = arith.constant 0 : index
      %swap3A_100 = vector.load %arg22[%swap3A, %swap3A_99] : memref<1x4xf32, #tpu.memory_space<vmem>>, vector<1x4xf32>
      tpu.vector_store %arg22[%swap3A, %swap3A_99], %add3A_98 {strides = array<i32>} : memref<1x4xf32, #tpu.memory_space<vmem>>, vector<1x4xf32>,
      %dot_general3A_101 = arith.constant dense<0.000000e+00> : vector<4x512xf32>
      %dot_general3A_102 = tpu.matmul %mul3A_91, %add3A_32, %dot_general3A_101 {dimension_numbers = #tpu.dot_dimension_numbers<[0], [0], [1], [1], [0, 1, 1, 1], [], []>, transpose_lhs_hint = false} : vector<2000x4xf32>, vector<2000x512xf32>, vector<4x512xf32> -> vector<4x512xf32>
      %get3A_103 = arith.constant 0 : index
      %get3A_104 = arith.constant 0 : index
      %get3A_105 = vector.load %arg23[%get3A_103, %get3A_104] : memref<4x128xf32, #tpu.memory_space<vmem>>, vector<1x128xf32>
      %slice3A = vector.extract_strided_slice %exp3A {offsets = [0, 0], sizes = [1, 1], strides = [1, 1]} : vector<1x4xf32> to vector<1x1xf32>
      %mul3A_106 = vector.broadcast %slice3A : vector<1x1xf32> to vector<1x128xf32>
      %mul3A_107 = arith.mulf %get3A_105, %mul3A_106 : vector<1x128xf32>
      %slice3A_108 = vector.extract_strided_slice %dot_general3A_102 {offsets = [0, 0], sizes = [1, 128], strides = [1, 1]} : vector<4x512xf32> to vector<1x128xf32>
      %add3A_109 = arith.addf %mul3A_107, %slice3A_108 : vector<1x128xf32>
      %swap3A_110 = arith.constant 0 : index
      %swap3A_111 = arith.constant 0 : index
      %swap3A_112 = vector.load %arg23[%swap3A_110, %swap3A_111] : memref<4x128xf32, #tpu.memory_space<vmem>>, vector<1x128xf32>
      tpu.vector_store %arg23[%swap3A_110, %swap3A_111], %add3A_109 {strides = array<i32>} : memref<4x128xf32, #tpu.memory_space<vmem>>, vector<1x128xf32>,
      %get3A_113 = arith.constant 1 : index
      %get3A_114 = arith.constant 0 : index
      %get3A_115 = vector.load %arg23[%get3A_113, %get3A_114] : memref<4x128xf32, #tpu.memory_space<vmem>>, vector<1x128xf32>
      %slice3A_116 = vector.extract_strided_slice %exp3A {offsets = [0, 1], sizes = [1, 1], strides = [1, 1]} : vector<1x4xf32> to vector<1x1xf32>
      %mul3A_117 = vector.broadcast %slice3A_116 : vector<1x1xf32> to vector<1x128xf32>
      %mul3A_118 = arith.mulf %get3A_115, %mul3A_117 : vector<1x128xf32>
      %slice3A_119 = vector.extract_strided_slice %dot_general3A_102 {offsets = [1, 128], sizes = [1, 128], strides = [1, 1]} : vector<4x512xf32> to vector<1x128xf32>
      %add3A_120 = arith.addf %mul3A_118, %slice3A_119 : vector<1x128xf32>
      %swap3A_121 = arith.constant 1 : index
      %swap3A_122 = arith.constant 0 : index
      %swap3A_123 = vector.load %arg23[%swap3A_121, %swap3A_122] : memref<4x128xf32, #tpu.memory_space<vmem>>, vector<1x128xf32>
      tpu.vector_store %arg23[%swap3A_121, %swap3A_122], %add3A_120 {strides = array<i32>} : memref<4x128xf32, #tpu.memory_space<vmem>>, vector<1x128xf32>,
      %get3A_124 = arith.constant 2 : index
      %get3A_125 = arith.constant 0 : index
      %get3A_126 = vector.load %arg23[%get3A_124, %get3A_125] : memref<4x128xf32, #tpu.memory_space<vmem>>, vector<1x128xf32>
      %slice3A_127 = vector.extract_strided_slice %exp3A {offsets = [0, 2], sizes = [1, 1], strides = [1, 1]} : vector<1x4xf32> to vector<1x1xf32>
      %mul3A_128 = vector.broadcast %slice3A_127 : vector<1x1xf32> to vector<1x128xf32>
      %mul3A_129 = arith.mulf %get3A_126, %mul3A_128 : vector<1x128xf32>
      %slice3A_130 = vector.extract_strided_slice %dot_general3A_102 {offsets = [2, 256], sizes = [1, 128], strides = [1, 1]} : vector<4x512xf32> to vector<1x128xf32>
      %add3A_131 = arith.addf %mul3A_129, %slice3A_130 : vector<1x128xf32>
      %swap3A_132 = arith.constant 2 : index
      %swap3A_133 = arith.constant 0 : index
      %swap3A_134 = vector.load %arg23[%swap3A_132, %swap3A_133] : memref<4x128xf32, #tpu.memory_space<vmem>>, vector<1x128xf32>
      tpu.vector_store %arg23[%swap3A_132, %swap3A_133], %add3A_131 {strides = array<i32>} : memref<4x128xf32, #tpu.memory_space<vmem>>, vector<1x128xf32>,
      %get3A_135 = arith.constant 3 : index
      %get3A_136 = arith.constant 0 : index
      %get3A_137 = vector.load %arg23[%get3A_135, %get3A_136] : memref<4x128xf32, #tpu.memory_space<vmem>>, vector<1x128xf32>
      %slice3A_138 = vector.extract_strided_slice %exp3A {offsets = [0, 3], sizes = [1, 1], strides = [1, 1]} : vector<1x4xf32> to vector<1x1xf32>
      %mul3A_139 = vector.broadcast %slice3A_138 : vector<1x1xf32> to vector<1x128xf32>
      %mul3A_140 = arith.mulf %get3A_137, %mul3A_139 : vector<1x128xf32>
      %slice3A_141 = vector.extract_strided_slice %dot_general3A_102 {offsets = [3, 384], sizes = [1, 128], strides = [1, 1]} : vector<4x512xf32> to vector<1x128xf32>
      %add3A_142 = arith.addf %mul3A_140, %slice3A_141 : vector<1x128xf32>
      %swap3A_143 = arith.constant 3 : index
      %swap3A_144 = arith.constant 0 : index
      %swap3A_145 = vector.load %arg23[%swap3A_143, %swap3A_144] : memref<4x128xf32, #tpu.memory_space<vmem>>, vector<1x128xf32>
      tpu.vector_store %arg23[%swap3A_143, %swap3A_144], %add3A_142 {strides = array<i32>} : memref<4x128xf32, #tpu.memory_space<vmem>>, vector<1x128xf32>,
      %swap3A_146 = arith.constant 0 : index
      %swap3A_147 = arith.constant 0 : index
      %swap3A_148 = vector.load %arg21[%swap3A_146, %swap3A_147] : memref<1x4xf32, #tpu.memory_space<vmem>>, vector<1x4xf32>
      tpu.vector_store %arg21[%swap3A_146, %swap3A_147], %max3A_83 {strides = array<i32>} : memref<1x4xf32, #tpu.memory_space<vmem>>, vector<1x4xf32>,
    } else {
    }
    %eq3A_6 = arith.constant 5 : i32
    %eq3A_7 = arith.cmpi eq, %arg0, %eq3A_6 : i32
    %convert_element_type3A_8 = arith.extui %eq3A_7 : i1 to i32
    %cond3A_9 = arith.constant 0 : i32
    %cond3A_10 = arith.cmpi ne, %convert_element_type3A_8, %cond3A_9 : i32
    scf.if %cond3A_10 {
      %get3A = arith.constant 0 : index
      %get3A_11 = arith.constant 0 : index
      %get3A_12 = vector.load %arg22[%get3A, %get3A_11] : memref<1x4xf32, #tpu.memory_space<vmem>>, vector<1x4xf32>
      %add3A = arith.constant 1.000000e-16 : f32
      %add3A_13 = vector.broadcast %add3A : f32 to vector<1x4xf32>
      %add3A_14 = arith.addf %get3A_12, %add3A_13 : vector<1x4xf32>
      %div3A = arith.constant 1.000000e+00 : f32
      %div3A_15 = vector.broadcast %div3A : f32 to vector<1x4xf32>
      %div3A_16 = arith.divf %div3A_15, %add3A_14 : vector<1x4xf32>
      %broadcast_in_dim3A = arith.constant 0.000000e+00 : f32
      %broadcast_in_dim3A_17 = vector.broadcast %broadcast_in_dim3A : f32 to vector<1x128xf32>
      %get3A_18 = arith.constant 0 : index
      %get3A_19 = arith.constant 0 : index
      %get3A_20 = vector.load %arg23[%get3A_18, %get3A_19] : memref<4x128xf32, #tpu.memory_space<vmem>>, vector<1x128xf32>
      %slice3A = vector.extract_strided_slice %div3A_16 {offsets = [0, 0], sizes = [1, 1], strides = [1, 1]} : vector<1x4xf32> to vector<1x1xf32>
      %mul3A = vector.broadcast %slice3A : vector<1x1xf32> to vector<1x128xf32>
      %mul3A_21 = arith.mulf %get3A_20, %mul3A : vector<1x128xf32>
      %add3A_22 = arith.addf %broadcast_in_dim3A_17, %mul3A_21 : vector<1x128xf32>
      %get3A_23 = arith.constant 1 : index
      %get3A_24 = arith.constant 0 : index
      %get3A_25 = vector.load %arg23[%get3A_23, %get3A_24] : memref<4x128xf32, #tpu.memory_space<vmem>>, vector<1x128xf32>
      %slice3A_26 = vector.extract_strided_slice %div3A_16 {offsets = [0, 1], sizes = [1, 1], strides = [1, 1]} : vector<1x4xf32> to vector<1x1xf32>
      %mul3A_27 = vector.broadcast %slice3A_26 : vector<1x1xf32> to vector<1x128xf32>
      %mul3A_28 = arith.mulf %get3A_25, %mul3A_27 : vector<1x128xf32>
      %add3A_29 = arith.addf %add3A_22, %mul3A_28 : vector<1x128xf32>
      %get3A_30 = arith.constant 2 : index
      %get3A_31 = arith.constant 0 : index
      %get3A_32 = vector.load %arg23[%get3A_30, %get3A_31] : memref<4x128xf32, #tpu.memory_space<vmem>>, vector<1x128xf32>
      %slice3A_33 = vector.extract_strided_slice %div3A_16 {offsets = [0, 2], sizes = [1, 1], strides = [1, 1]} : vector<1x4xf32> to vector<1x1xf32>
      %mul3A_34 = vector.broadcast %slice3A_33 : vector<1x1xf32> to vector<1x128xf32>
      %mul3A_35 = arith.mulf %get3A_32, %mul3A_34 : vector<1x128xf32>
      %add3A_36 = arith.addf %add3A_29, %mul3A_35 : vector<1x128xf32>
      %get3A_37 = arith.constant 3 : index
      %get3A_38 = arith.constant 0 : index
      %get3A_39 = vector.load %arg23[%get3A_37, %get3A_38] : memref<4x128xf32, #tpu.memory_space<vmem>>, vector<1x128xf32>
      %slice3A_40 = vector.extract_strided_slice %div3A_16 {offsets = [0, 3], sizes = [1, 1], strides = [1, 1]} : vector<1x4xf32> to vector<1x1xf32>
      %mul3A_41 = vector.broadcast %slice3A_40 : vector<1x1xf32> to vector<1x128xf32>
      %mul3A_42 = arith.mulf %get3A_39, %mul3A_41 : vector<1x128xf32>
      %add3A_43 = arith.addf %add3A_36, %mul3A_42 : vector<1x128xf32>
      %mul3A_44 = arith.constant 2.500000e-01 : f32
      %mul3A_45 = vector.broadcast %mul3A_44 : f32 to vector<1x128xf32>
      %mul3A_46 = arith.mulf %add3A_43, %mul3A_45 : vector<1x128xf32>
      %get3A_47 = arith.constant 0 : index
      %get3A_48 = arith.constant 0 : index
      %get3A_49 = vector.load %arg13[%get3A_47, %get3A_48] : memref<1x128xf32, #tpu.memory_space<vmem>>, vector<1x128xf32>
      %add3A_50 = arith.addf %mul3A_46, %get3A_49 : vector<1x128xf32>
      %get3A_51 = arith.constant 0 : index
      %get3A_52 = arith.constant 0 : index
      %get3A_53 = vector.load %arg14[%get3A_51, %get3A_52] : memref<128x768xf32, #tpu.memory_space<vmem>>, vector<128x768xf32>
      %dot_general3A = arith.constant dense<0.000000e+00> : vector<1x768xf32>
      %dot_general3A_54 = tpu.matmul %add3A_50, %get3A_53, %dot_general3A {dimension_numbers = #tpu.dot_dimension_numbers<[1], [0], [0], [1], [0, 0, 1, 1], [], []>, transpose_lhs_hint = false} : vector<1x128xf32>, vector<128x768xf32>, vector<1x768xf32> -> vector<1x768xf32>
      %get3A_55 = arith.constant 0 : index
      %get3A_56 = arith.constant 0 : index
      %get3A_57 = vector.load %arg15[%get3A_55, %get3A_56] : memref<1x768xf32, #tpu.memory_space<vmem>>, vector<1x768xf32>
      %add3A_58 = arith.addf %dot_general3A_54, %get3A_57 : vector<1x768xf32>
      %get3A_59 = arith.constant 0 : index
      %get3A_60 = arith.constant 0 : index
      %get3A_61 = vector.load %arg3[%get3A_59, %get3A_60] : memref<1x256xf32, #tpu.memory_space<vmem>>, vector<1x256xf32>
      %get3A_62 = arith.constant 0 : index
      %get3A_63 = arith.constant 0 : index
      %get3A_64 = vector.load %arg16[%get3A_62, %get3A_63] : memref<256x768xf32, #tpu.memory_space<vmem>>, vector<256x768xf32>
      %dot_general3A_65 = arith.constant dense<0.000000e+00> : vector<1x768xf32>
      %dot_general3A_66 = tpu.matmul %get3A_61, %get3A_64, %dot_general3A_65 {dimension_numbers = #tpu.dot_dimension_numbers<[1], [0], [0], [1], [0, 0, 1, 1], [], []>, transpose_lhs_hint = false} : vector<1x256xf32>, vector<256x768xf32>, vector<1x768xf32> -> vector<1x768xf32>
      %get3A_67 = arith.constant 0 : index
      %get3A_68 = arith.constant 0 : index
      %get3A_69 = vector.load %arg17[%get3A_67, %get3A_68] : memref<1x768xf32, #tpu.memory_space<vmem>>, vector<1x768xf32>
      %add3A_70 = arith.addf %dot_general3A_66, %get3A_69 : vector<1x768xf32>
      %slice3A_71 = vector.extract_strided_slice %add3A_58 {offsets = [0, 0], sizes = [1, 256], strides = [1, 1]} : vector<1x768xf32> to vector<1x256xf32>
      %slice3A_72 = vector.extract_strided_slice %add3A_70 {offsets = [0, 0], sizes = [1, 256], strides = [1, 1]} : vector<1x768xf32> to vector<1x256xf32>
      %add3A_73 = arith.addf %slice3A_71, %slice3A_72 : vector<1x256xf32>
      %logistic3A = arith.negf %add3A_73 : vector<1x256xf32>
      %logistic3A_74 = math.exp %logistic3A : vector<1x256xf32>
      %logistic3A_75 = arith.constant 1.000000e+00 : f32
      %logistic3A_76 = vector.broadcast %logistic3A_75 : f32 to vector<1x256xf32>
      %logistic3A_77 = arith.addf %logistic3A_76, %logistic3A_74 : vector<1x256xf32>
      %logistic3A_78 = arith.divf %logistic3A_76, %logistic3A_77 : vector<1x256xf32>
      %slice3A_79 = vector.extract_strided_slice %add3A_58 {offsets = [0, 256], sizes = [1, 256], strides = [1, 1]} : vector<1x768xf32> to vector<1x256xf32>
      %slice3A_80 = vector.extract_strided_slice %add3A_70 {offsets = [0, 256], sizes = [1, 256], strides = [1, 1]} : vector<1x768xf32> to vector<1x256xf32>
      %add3A_81 = arith.addf %slice3A_79, %slice3A_80 : vector<1x256xf32>
      %logistic3A_82 = arith.negf %add3A_81 : vector<1x256xf32>
      %logistic3A_83 = math.exp %logistic3A_82 : vector<1x256xf32>
      %logistic3A_84 = arith.constant 1.000000e+00 : f32
      %logistic3A_85 = vector.broadcast %logistic3A_84 : f32 to vector<1x256xf32>
      %logistic3A_86 = arith.addf %logistic3A_85, %logistic3A_83 : vector<1x256xf32>
      %logistic3A_87 = arith.divf %logistic3A_85, %logistic3A_86 : vector<1x256xf32>
      %slice3A_88 = vector.extract_strided_slice %add3A_58 {offsets = [0, 512], sizes = [1, 256], strides = [1, 1]} : vector<1x768xf32> to vector<1x256xf32>
      %slice3A_89 = vector.extract_strided_slice %add3A_70 {offsets = [0, 512], sizes = [1, 256], strides = [1, 1]} : vector<1x768xf32> to vector<1x256xf32>
      %mul3A_90 = arith.mulf %logistic3A_78, %slice3A_89 : vector<1x256xf32>
      %add3A_91 = arith.addf %slice3A_88, %mul3A_90 : vector<1x256xf32>
      %tanh3A = math.tanh %add3A_91 : vector<1x256xf32>
      %sub3A = arith.constant 1.000000e+00 : f32
      %sub3A_92 = vector.broadcast %sub3A : f32 to vector<1x256xf32>
      %sub3A_93 = arith.subf %sub3A_92, %logistic3A_87 : vector<1x256xf32>
      %mul3A_94 = arith.mulf %sub3A_93, %tanh3A : vector<1x256xf32>
      %get3A_95 = arith.constant 0 : index
      %get3A_96 = arith.constant 0 : index
      %get3A_97 = vector.load %arg3[%get3A_95, %get3A_96] : memref<1x256xf32, #tpu.memory_space<vmem>>, vector<1x256xf32>
      %mul3A_98 = arith.mulf %logistic3A_87, %get3A_97 : vector<1x256xf32>
      %add3A_99 = arith.addf %mul3A_94, %mul3A_98 : vector<1x256xf32>
      %swap3A = arith.constant 0 : index
      %swap3A_100 = arith.constant 0 : index
      %swap3A_101 = vector.load %arg18[%swap3A, %swap3A_100] : memref<1x256xf32, #tpu.memory_space<vmem>>, vector<1x256xf32>
      tpu.vector_store %arg18[%swap3A, %swap3A_100], %add3A_99 {strides = array<i32>} : memref<1x256xf32, #tpu.memory_space<vmem>>, vector<1x256xf32>,
    } else {
    }
    return
  }
  func.func @transform_0(%arg0: i32) -> (i32, i32) {
    %min3A = arith.constant 4 : i32
    %min3A_0 = arith.minsi %arg0, %min3A : i32
    %c0_i32 = arith.constant 0 : i32
    %c0_i32_1 = arith.constant 0 : i32
    return %min3A_0, %c0_i32 : i32, i32
  }
  func.func @transform_1(%arg0: i32) -> (i32, i32, i32) {
    %c0_i32 = arith.constant 0 : i32
    %c0_i32_0 = arith.constant 0 : i32
    %c0_i32_1 = arith.constant 0 : i32
    %c0_i32_2 = arith.constant 0 : i32
    return %c0_i32, %c0_i32_0, %c0_i32_1 : i32, i32, i32
  }
  func.func @transform_2(%arg0: i32) -> (i32, i32) {
    %c0_i32 = arith.constant 0 : i32
    %c0_i32_0 = arith.constant 0 : i32
    %c0_i32_1 = arith.constant 0 : i32
    return %c0_i32, %c0_i32_0 : i32, i32
  }
  func.func @transform_3(%arg0: i32) -> (i32, i32) {
    %c0_i32 = arith.constant 0 : i32
    %c0_i32_0 = arith.constant 0 : i32
    %c0_i32_1 = arith.constant 0 : i32
    return %c0_i32, %c0_i32_0 : i32, i32
  }
  func.func @transform_4(%arg0: i32) -> (i32, i32) {
    %c0_i32 = arith.constant 0 : i32
    %c0_i32_0 = arith.constant 0 : i32
    %c0_i32_1 = arith.constant 0 : i32
    return %c0_i32, %c0_i32_0 : i32, i32
  }
  func.func @transform_5(%arg0: i32) -> (i32, i32) {
    %c0_i32 = arith.constant 0 : i32
    %c0_i32_0 = arith.constant 0 : i32
    %c0_i32_1 = arith.constant 0 : i32
    return %c0_i32, %c0_i32_0 : i32, i32
  }
  func.func @transform_6(%arg0: i32) -> (i32, i32) {
    %c0_i32 = arith.constant 0 : i32
    %c0_i32_0 = arith.constant 0 : i32
    %c0_i32_1 = arith.constant 0 : i32
    return %c0_i32, %c0_i32_0 : i32, i32
  }
  func.func @transform_7(%arg0: i32) -> (i32, i32) {
    %c0_i32 = arith.constant 0 : i32
    %c0_i32_0 = arith.constant 0 : i32
    %c0_i32_1 = arith.constant 0 : i32
    return %c0_i32, %c0_i32_0 : i32, i32
  }
  func.func @transform_8(%arg0: i32) -> (i32, i32) {
    %c0_i32 = arith.constant 0 : i32
    %c0_i32_0 = arith.constant 0 : i32
    %c0_i32_1 = arith.constant 0 : i32
    return %c0_i32, %c0_i32_0 : i32, i32
  }
  func.func @transform_9(%arg0: i32) -> (i32, i32) {
    %c0_i32 = arith.constant 0 : i32
    %c0_i32_0 = arith.constant 0 : i32
    %c0_i32_1 = arith.constant 0 : i32
    return %c0_i32, %c0_i32_0 : i32, i32
  }
  func.func @transform_10(%arg0: i32) -> (i32, i32) {
    %c0_i32 = arith.constant 0 : i32
    %c0_i32_0 = arith.constant 0 : i32
    %c0_i32_1 = arith.constant 0 : i32
    return %c0_i32, %c0_i32_0 : i32, i32
  }
  func.func @transform_11(%arg0: i32) -> (i32, i32) {
    %c0_i32 = arith.constant 0 : i32
    %c0_i32_0 = arith.constant 0 : i32
    %c0_i32_1 = arith.constant 0 : i32
    return %c0_i32, %c0_i32_0 : i32, i32
  }
  func.func @transform_12(%arg0: i32) -> (i32, i32) {
    %c0_i32 = arith.constant 0 : i32
    %c0_i32_0 = arith.constant 0 : i32
    %c0_i32_1 = arith.constant 0 : i32
    return %c0_i32, %c0_i32_0 : i32, i32
  }
  func.func @transform_13(%arg0: i32) -> (i32, i32) {
    %c0_i32 = arith.constant 0 : i32
    %c0_i32_0 = arith.constant 0 : i32
    %c0_i32_1 = arith.constant 0 : i32
    return %c0_i32, %c0_i32_0 : i32, i32
  }
  func.func @transform_14(%arg0: i32) -> (i32, i32) {
    %c0_i32 = arith.constant 0 : i32
    %c0_i32_0 = arith.constant 0 : i32
    %c0_i32_1 = arith.constant 0 : i32
    return %c0_i32, %c0_i32_0 : i32, i32
  }
  func.func @transform_15(%arg0: i32) -> (i32, i32) {
    %c0_i32 = arith.constant 0 : i32
    %c0_i32_0 = arith.constant 0 : i32
    %c0_i32_1 = arith.constant 0 : i32
    return %c0_i32, %c0_i32_0 : i32, i32
  }
  func.func @transform_16(%arg0: i32) -> (i32, i32) {
    %c0_i32 = arith.constant 0 : i32
    %c0_i32_0 = arith.constant 0 : i32
    %c0_i32_1 = arith.constant 0 : i32
    return %c0_i32, %c0_i32_0 : i32, i32
  }
  func.func @transform_17(%arg0: i32) -> (i32, i32) {
    %c0_i32 = arith.constant 0 : i32
    %c0_i32_0 = arith.constant 0 : i32
    %c0_i32_1 = arith.constant 0 : i32
    return %c0_i32, %c0_i32_0 : i32, i32
  }
}

</mosaic_0001>

<sc_bundles>
// kernel: kernel.4.cloned.1.call-start
scs
__scs_entry_jumppad:
0x0: {  	(pc) =	sbr.rel $0x88, $3  }
0x1: {  	(tag) =	ssettag $0x0;
	lr =	simm.s32 $0x1  }
0x2: {  	[smem:$0x3F92] =	sst lr;
	_ =	strace $0xD0000000  }
0x3: {  	_ = 	snop  }
0x4: {  	_ = 	snop  }
0x5: {  	_ = 	snop  }
0x6: {  	_ = 	snop  }
0x7: {  	_ = 	snop  }
__scs_overlays_trampoline_lowered:
0x8: {  	[smem:$0x3FA1] =	sst s0  }
0x9: {  	[smem:$0x3FA2] =	sst s1  }
0xa: {  	[smem:$0x3FA3] =	sst s2  }
0xb: {  	[smem:$0x3FA4] =	sst s3  }
0xc: {  	[smem:$0x3FA5] =	sst s4  }
0xd: {  	[smem:$0x3FA6] =	sst s5  }
0xe: {  	[smem:$0x3FA7] =	sst s6  }
0xf: {  	[smem:$0x3FA8] =	sst s7  }
0x10: {  	[smem:$0x3FA9] =	sst s8  }
0x11: {  	[smem:$0x3FAA] =	sst s9;
	s0 =	simm.s32 @!p0 $0x0  }
0x12: {  	s1 =	sld [smem:$0x3F90];
	s0 =	simm.s32 @p0 $0x1  }
0x13: {  	[smem:$0x3FAB] =	sst s0;
	s0 =	simm.s32 @!p1 $0x0  }
0x14: {  	s2 =	sld [smem:$0x3F8F];
	s0 =	simm.s32 @p1 $0x1  }
0x15: {  	[smem:$0x3FAC] =	sst s0;
	s0 =	simm.s32 @!p2 $0x0  }
0x16: {  	s3 =	sld [smem:$0x3FDB];
	s0 =	simm.s32 @p2 $0x1  }
0x17: {  	s4 =	simm.s32 $0x1BF5;
	[smem:$0x3FAE] =	sst s0  }
0x18: {  	s0 =	sld [smem:$0x3F91];
	_ =	swait.ge [sflag:s4], $0x0  }
0x19: {  	s7 =	sld [smem:$0x3F92]  }
0x1a: {  	s8 =	sadd.s32 $0xFFFFE003, lr  }
0x1b: {  	s9 =	sadd.s32 $0xFFFFFEF7, lr;
	s5 =	simm.s32 $0xFFFFFFFF;
	p2 =	slt.u32 s8, $0xFFFFF086  }
0x1c: {  	p1 =	slt.u32 s9, $0xF7A;
	s5 =	simm.s32 @!p2 $0x0  }
0x1d: {  	s5 =	simm.s32 @p1 $0x1;
	p0 =	seq.s32 s7, s2  }
0x1e: {  	s7 =	smul.u32 @!p0 $0xF7A, s2;
	p2 =	seq.s32 @!p0 s5, $0x0  }
0x1f: {  	s9 =	smul.u32 $0xF7A, s1;
	s8 =	simm.s32 @!p0 $0x1BF5;
	p2 =	por !p2, p0  }
0x20: {  	[sflag:s8] =	ssyncset.s32 @!p0 $0xFFFFF086;
	s6 =	sadd.s32 @!p0 s3, s7;
	s7 =	simm.s32 @!p0 $0x108  }
0x21: {  	s3 =	sadd.s32 s3, s9;
	s6 =	sadd.s32 @!p0 $0x88, s6;
	s7 =	simm.s32 @p2 $0x1082  }
0x22: {  	[simem:s7], [sflag:s8] =	dma.local @!p0 [hbm:s6], $0xF7A  }
0x23: {  	s9 =	sor.u32 $0xD0000000, s2;
	s6 =	simm.s32 $0x108;
	_ =	swait.ge @!p0 [sflag:s8], $0x0  }
0x24: {  	s3 =	sadd.s32 $0x88, s3;
	s6 =	simm.s32 @!p1 $0x1082;
	[sflag:s4] =	ssyncset.s32 $0xFFFFF086  }
0x25: {  	[simem:s6], [sflag:s4] =	dma.local [hbm:s3], $0xF7A  }
0x26: {  	[smem:$0x3F92] =	sst s1;
	(tag) =	ssettag s2;
	_ =	strace s9  }
0x27: {  	s1 =	sld [smem:$0x3FA2]  }
0x28: {  	s2 =	sld [smem:$0x3FA3]  }
0x29: {  	s4 =	sld [smem:$0x3FA5]  }
0x2a: {  	p0 =	seq.s32 s5, $0x0;
	s5 =	sld [smem:$0x3FA6]  }
0x2b: {  	s6 =	sld [smem:$0x3FA7]  }
0x2c: {  	s7 =	sld [smem:$0x3FA8]  }
0x2d: {  	s3 =	simm.s32 $0x108;
	s8 =	sld [smem:$0x3FA9]  }
0x2e: {  	s3 =	simm.s32 @!p0 $0x1082;
	s9 =	sld [smem:$0x3FAA]  }
0x2f: {  	lr =	sadd.s32 s0, s3;
	s0 =	sld [smem:$0x3FA1]  }
0x30: {  	s3 =	sld [smem:$0x3FA4]  }
0x31: {  	[smem:$0x3FAD] =	sst s10  }
0x32: {  	s10 =	sld [smem:$0x3FAB];
	_ =	sdelay $0x3  }
0x33: {  	p0 =	seq.s32 s10, $0x1;
	s10 =	sld [smem:$0x3FAD];
	_ =	sdelay $0x3  }
0x34: {  	[smem:$0x3FAD] =	sst s10  }
0x35: {  	s10 =	sld [smem:$0x3FAC];
	_ =	sdelay $0x3  }
0x36: {  	p1 =	seq.s32 s10, $0x1;
	s10 =	sld [smem:$0x3FAD];
	_ =	sdelay $0x3  }
0x37: {  	[smem:$0x3FAD] =	sst s10  }
0x38: {  	s10 =	sld [smem:$0x3FAE]  }
0x39: {  	_ = 	snop;
	(pc) =	sbr.ind lr, $3  }
0x3a: {  	_ = 	snop  }
0x3b: {  	_ = 	snop  }
0x3c: {  	p2 =	seq.s32 s10, $0x1;
	s10 =	sld [smem:$0x3FAD]  }
0x3d: {  	_ =	shalt  }
0x3e: {  	_ =	shalt  }
0x3f: {  	_ =	shalt  }
0x40: {  	_ =	shalt  }
0x41: {  	_ =	shalt  }
0x42: {  	_ =	shalt  }
0x43: {  	_ =	shalt  }
0x44: {  	_ =	shalt  }
0x45: {  	_ =	shalt  }
0x46: {  	_ =	shalt  }
0x47: {  	_ =	shalt  }
0x48: {  	_ =	shalt  }
0x49: {  	_ =	shalt  }
0x4a: {  	_ =	shalt  }
0x4b: {  	_ =	shalt  }
0x4c: {  	_ =	shalt  }
0x4d: {  	_ =	shalt  }
0x4e: {  	_ =	shalt  }
0x4f: {  	_ =	shalt  }
0x50: {  	_ =	shalt  }
0x51: {  	_ =	shalt  }
0x52: {  	_ =	shalt  }
0x53: {  	_ =	shalt  }
0x54: {  	_ =	shalt  }
0x55: {  	_ =	shalt  }
0x56: {  	_ =	shalt  }
0x57: {  	_ =	shalt  }
0x58: {  	_ =	shalt  }
0x59: {  	_ =	shalt  }
0x5a: {  	_ =	shalt  }
0x5b: {  	_ =	shalt  }
0x5c: {  	_ =	shalt  }
0x5d: {  	_ =	shalt  }
0x5e: {  	_ =	shalt  }
0x5f: {  	_ =	shalt  }
0x60: {  	_ =	shalt  }
0x61: {  	_ =	shalt  }
0x62: {  	_ =	shalt  }
0x63: {  	_ =	shalt  }
0x64: {  	_ =	shalt  }
0x65: {  	_ =	shalt  }
0x66: {  	_ =	shalt  }
0x67: {  	_ =	shalt  }
0x68: {  	_ =	shalt  }
0x69: {  	_ =	shalt  }
0x6a: {  	_ =	shalt  }
0x6b: {  	_ =	shalt  }
0x6c: {  	_ =	shalt  }
0x6d: {  	_ =	shalt  }
0x6e: {  	_ =	shalt  }
0x6f: {  	_ =	shalt  }
0x70: {  	_ =	shalt  }
0x71: {  	_ =	shalt  }
0x72: {  	_ =	shalt  }
0x73: {  	_ =	shalt  }
0x74: {  	_ =	shalt  }
0x75: {  	_ =	shalt  }
0x76: {  	_ =	shalt  }
0x77: {  	_ =	shalt  }
0x78: {  	_ =	shalt  }
0x79: {  	_ =	shalt  }
0x7a: {  	_ =	shalt  }
0x7b: {  	_ =	shalt  }
0x7c: {  	_ =	shalt  }
0x7d: {  	_ =	shalt  }
0x7e: {  	_ =	shalt  }
0x7f: {  	_ =	shalt  }
0x80: {  	_ =	shalt  }
0x81: {  	_ =	shalt  }
0x82: {  	_ =	shalt  }
0x83: {  	_ =	shalt  }
0x84: {  	_ =	shalt  }
0x85: {  	_ =	shalt  }
0x86: {  	_ =	shalt  }
0x87: {  	_ =	shalt  }
.Lfunc_end0:
.L_simem_size_0:
called_computation_lowered:
.L_overlay_start_0:
0x88: {  	s2 =	sld [smem:$0x3FD9]  }
0x89: {  	s3 =	sld [smem:$0x3FFE];
	_ =	sdelay $0x1  }
0x8a: {  	s1 =	srdreg.scid  }
0x8b: {  	s0 =	sand.u32 $0x1, s1  }
0x8c: {  	s17 =	sshll.u32 s0, $0xA;
	s2 =	sadd.s32 s3, s2  }
0x8d: {  	s2 =	sadd.s32 s2, s17  }
0x8e: {  	[smem:$0x3FB9] =	sst s2  }
0x8f: {  	_ = 	snop  }
0x90: {  	s2 =	sld [smem:$0x3FC8];
	(tm) =	ssettm $0x1  }
0x91: {  	s18 =	sld [smem:$0x3FFB];
	_ =	sdelay $0x3  }
0x92: {  	_ =	strace s18  }
0x93: {  	s3 =	sld [smem:$0x3FFC];
	_ =	sdelay $0x3  }
0x94: {  	_ =	strace s3  }
0x95: {  	s3 =	sld [smem:$0x3FFD];
	_ =	sdelay $0x3  }
0x96: {  	_ =	strace s3  }
0x97: {  	_ =	strace $0x8FFFFFFF  }
0x98: {  	s19 =	sld [smem:$0x3FDB];
	_ =	sdelay $0x1  }
0x99: {  	s4 =	simm.s32 $_scs_section_size  }
0x9a: {  	s5 =	simm.s32 $_size__tile_overlayer_lowered;
	s6 =	simm.s32 $_tile_overlayer_lowered  }
0x9b: {  	s22 =	simm.s32 $0x1BFF;
	s21 =	sshll.u32 s6, $0x1;
	s3 =	sadd.s32 s4, s19  }
0x9c: {  	s7 =	simm.s32 $0x0;
	s20 =	sshll.u32 s5, $0x1;
	s5 =	sadd.s32 s21, s3  }
0x9d: {  	[timem:s7], [sflag:s22] =	dma.local [hbm:s5], s20  }
0x9e: {  	_ =	swait.ge [sflag:s22], s20  }
0x9f: {  	s4 =	ssub.s32 $0x0, s20;
	[sflag:s22] =	ssyncset.done $0x0  }
0xa0: {  	[sflag:s22] =	ssyncadd.s32 s4;
	_ =	sdelay $0x1  }
0xa1: {  	s23 =	simm.s32 $0x1B8B  }
0xa2: {  	_ =	swait.ge [sflag:s23], $0x1  }
0xa3: {  	[sflag:s23] =	ssyncset.done $0x0  }
0xa4: {  	s25 =	simm.s32 $0x1B8E;
	s24 =	sld [smem:$0x3FFE];
	[sflag:s23] =	ssyncadd.s32 $0xFFFFFFFF  }
0xa5: {  	s26 =	simm.s32 $execute0_lowered;
	[smem:$0x3FD2] =	sst s25  }
0xa6: {  	s5 =	sshll.u32 s26, $0x1;
	_ =	strace $0x80000046;
	[dreg:$0x1] =	wrdreg $0xFFFFFFFF  }
0xa7: {  	s28 =	simm.s32 $_size_execute0_lowered;
	s3 =	sadd.s32 s3, s5;
	[dreg:$0x0] =	wrdreg $0x0  }
0xa8: {  	s5 =	sshll.u32 s28, $0x1;
	[dreg:$0x2] =	wrdreg s3  }
0xa9: {  	[dreg:$0x3] =	wrdreg s5  }
0xaa: {  	[dreg:$0x4] =	wrdreg $0xC0  }
0xab: {  	_ =	task [dreg:s7], $0x5FFFF  }
0xac: {  	[dreg:$0x1] =	wrdreg $0xFFFFFFFF  }
0xad: {  	[dreg:$0x0] =	wrdreg $0x60  }
0xae: {  	[dreg:$0x2] =	wrdreg s2  }
0xaf: {  	[dreg:$0x3] =	wrdreg s24  }
0xb0: {  	[dreg:$0x4] =	wrdreg $0x77800  }
0xb1: {  	[dreg:$0x5] =	wrdreg $0x9  }
0xb2: {  	_ =	task.clear_ibuf [dreg:s7], $0x6FFFF;
	_ =	strace $0x90000046  }
0xb3: {  	s29 =	simm.s32 $0x9;
	_ =	strace $0x80000048  }
0xb4: {  	_ =	swait.ge [sflag:s29], $0x1  }
0xb5: {  	[sflag:s29] =	ssyncadd.s32 $0xFFFFFFFF  }
0xb6: {  	_ =	strace $0x90000048  }
0xb7: {  	_ =	sfence  }
0xb8: {  	s30 =	sld [smem:$0x0];
	_ =	sdelay $0x2  }
0xb9: {  	s31 =	sshll.u32 s1, $0xD;
	s1 =	sshrl.u32 s1, $0x2  }
0xba: {  	s3 =	sand.u32 $0x4000, s31;
	s1 =	sadd.s32 s1, s30  }
0xbb: {  	s0 =	sor.u32 s3, s0;
	s1 =	sshll.u32 s1, $0x11  }
0xbc: {  	s0 =	sor.u32 s1, s0  }
0xbd: {  	s0 =	sadd.s32 $0x8F2B, s0  }
0xbe: {  	[sflag:s0] =	ssyncadd.remote.s32 $0x1  }
0xbf: {  	_ =	sfence.sel $0xFFFF  }
0xc0: {  	[dreg:$0x0] =	wrdreg $0xFFFFFFFF;
	(pc) =	sbr.abs _section_cstart, $3  }
0xc1: {  	[dreg:$0x1] =	wrdreg $0xFFFFFFFF  }
0xc2: {  	_ =	task.clear_ibuf [dreg:s7], $0x2FFFF;
	_ =	strace $0x9FFFFFFF  }
0xc3: {  	(tm) =	ssettm $0x7FFFFFFF  }
tec
execute0_lowered:
.L_overlay_start_1:
0x0: {  	(tag) =	ssettag $0x1  }
0x1: {  	s3 =	rddreg [dreg:$0x0]  }
0x2: {  	s4 =	rddreg [dreg:$0x1]  }
0x3: {  	s1 =	rddreg [dreg:$0x2]  }
0x4: {  	s0 =	rddreg [dreg:$0x3];
	s2 =	simm.s32 $0x0  }
0x5: {  	s5 =	srdreg.scid;
	s8 =	stileid.u32;
	s12 =	simm.s32 $0x0  }
0x6: {  	[smem:$0x7FF] =	sst s2;
	s5 =	sand.u32 $0x1, s5;
	s6 =	sshll.u32 s8, $0x1  }
0x7: {  	p1 =	sgt.u32 s8, $0x1;
	p0 =	sne.s32 s8, $0x0;
	s8 =	simm.s32 $0x4F00  }
0x8: {  	_ =	strace $0x80000047;
	s7 =	smul.u32 $0x500, s5;
	s9 =	ssub.s32 $0x2, s5  }
0x9: {  	s5 =	sor.u32 s5, s6;
	s11 =	sshrl.u32 @!p0 s1, $0x3;
	s30 =	sshrl.u32 s9, $0x1  }
0xa: {  	s10 =	smul.u32 $0x9C0, s5;
	s5 =	sshll.u32 s5, $0x5;
	s7 =	sadd.s32 s7, s4  }
0xb: {  	v0 =	vlaneseq.u32;
	s6 =	ssub.s32 s9, s30;
	s31 =	sadd.s32 s5, s3;
	s9 =	simm.s32 $0x50  }
0xc: {  	v1 =	vimm.f32 $0.0e+00;
	v6 =	vimm.f32 $1.000000000e+00;
	v2 =	vor.u32 $0x10, v0;
	s3 =	sadd.s32 s3, s10;
	s4 =	sadd.s32 $0x13800, s31;
	s5 =	sadd.s32 $0x2800, s7  }
0xd: {  	v3 =	vor.u32 $0x20, v0;
	v4 =	vor.u32 $0x30, v0;
	v5 =	vor.u32 $0x40, v0;
	s6 =	smax.u32 s6, $0x1;
	s7 =	simm.s32 $0x1;
	s10 =	simm.s32 $0x7700  }
.LBB2_1:
0xe: {  	[tilespmem:s2], [sflag:$0x1] =	stream.linear.gather [hbm4b:s3+s2], $0x4E00, $0x38;
	[tilespmem:$0x7A00] =	vst v63  }
0xf: {  	_ =	swait.ge [sflag:s7], $0x4E00  }
0x10: {  	[sflag:s7] =	ssyncset.done $0x0  }
0x11: {  	s13 =	simm.s32 @!p1 $0x0;
	s14 =	simm.s32 @!p1 $0x4E00;
	[sflag:s7] =	ssyncadd.s32 $0xFFFFB200  }
0x12: {  	[tilespmem:s14], [sflag:$0x1] =	stream.linear.gather @!p1 [hbm4b:s4+s13], $0x100, $0x38;
	[tilespmem:$0x7A00] =	vst v63  }
0x13: {  	s13 =	simm.s32 @!p1 $0x1  }
0x14: {  	_ =	swait.ge @!p1 [sflag:s13], $0x100  }
0x15: {  	[sflag:s13] =	ssyncset.done @!p1 $0x0  }
0x16: {  	s14 =	simm.s32 $0x200;
	[sflag:s13] =	ssyncadd.s32 @!p1 $0xFFFFFF00;
	s13 =	simm.s32 $0x0  }
.LBB2_2:
0x17: {  	p2 =	sne.s32 s14, $0x9E00;
	[tilespmem:s13+$0x4F70] =	vst v1  }
0x18: {  	[tilespmem:s13+$0x4F00] =	vst v1  }
0x19: {  	[tilespmem:s13+$0x4F10] =	vst v1  }
.Ltmp0:
0x1a: {  	[tilespmem:s13+$0x4F20] =	vst v1;
	(pc) =	sbr.rel @p2 .LBB2_2-.Ltmp0, $4  }
0x1b: {  	[tilespmem:s13+$0x4F30] =	vst v1  }
0x1c: {  	[tilespmem:s13+$0x4F40] =	vst v1  }
0x1d: {  	[tilespmem:s13+$0x4F50] =	vst v1  }
0x1e: {  	[tilespmem:s13+$0x4F60] =	vst v1;
	s13 =	sshra.s32 s14, $0x2;
	s14 =	sadd.s32 $0x200, s14  }
0x1f: {  	[tilespmem:s13+$0x4F70] =	vst v1  }
0x20: {  	[tilespmem:s13+$0x4F00] =	vst v1  }
0x21: {  	[tilespmem:s13+$0x4F10] =	vst v1  }
0x22: {  	[tilespmem:s13+$0x4F20] =	vst v1  }
0x23: {  	[tilespmem:s13+$0x4F30] =	vst v1  }
0x24: {  	[tilespmem:s13+$0x4F40] =	vst v1  }
0x25: {  	[tilespmem:s13+$0x4F50] =	vst v1  }
0x26: {  	[tilespmem:s13+$0x4F60] =	vst v1  }
0x27: {  	[tilespmem:$0x7700] =	vst v0  }
0x28: {  	[tilespmem:$0x7710] =	vst v2  }
0x29: {  	[tilespmem:$0x7720] =	vst v3  }
0x2a: {  	[tilespmem:$0x7730] =	vst v4  }
0x2b: {  	s13 =	simm.s32 @!p0 $0x4F00;
	[tilespmem:$0x7740] =	vst v5  }
0x2c: {  	[spmem:s1] =	stream.linear.scatter @!p0 [tilespmem:s13], [sflag:$0x1], $0x2800, $0x38;
	[tilespmem:$0x7A00] =	vst v63  }
0x2d: {  	s13 =	simm.s32 @!p0 $0x1  }
0x2e: {  	_ =	swait.ge @!p0 [sflag:s13], $0x2800  }
0x2f: {  	[sflag:s13] =	ssyncset.done @!p0 $0x0  }
0x30: {  	[sflag:s13] =	ssyncadd.s32 @!p0 $0xFFFFD800  }
0x31: {  	s31 =	simm.s32 $0x80;
	[bflag:$0x0] =	sbarrier.arrive $0xFFFF  }
0x32: {  	v7 =	vld [tilespmem:s31+$0x70]  }
0x33: {  	v8 =	vld [tilespmem:s31+$0x10]  }
0x34: {  	v9 =	vld [tilespmem:s31+$0xFFFFFFF0]  }
0x35: {  	v10 =	vld [tilespmem:s31+$0x20]  }
0x36: {  	v11 =	vld [tilespmem:s31+$0x30]  }
0x37: {  	v12 =	vld [tilespmem:s31+$0x50]  }
0x38: {  	v13 =	vld [tilespmem:s31+$0x60]  }
0x39: {  	v14 =	vld [tilespmem:s31+$0xFFFFFF90]  }
0x3a: {  	v15 =	vld [tilespmem:s31+$0xFFFFFFA0]  }
0x3b: {  	v61 =	vld [tilespmem:s31+$0xFFFFFFD0];
	vm0 =	veq.s32 v7, $0x0  }
0x3c: {  	v62 =	vld [tilespmem:s31+$0xFFFFFFE0]  }
0x3d: {  	v7 =	vld [tilespmem:s31+$0x40];
	vm1 =	veq.s32 v8, $0x0  }
0x3e: {  	v8 =	vld [tilespmem:s31+$0xFFFFFFB0];
	vm4 =	veq.s32 v12, $0x0  }
0x3f: {  	v60 =	vld [tilespmem:s31+$0xFFFFFFC0];
	vm5 =	veq.s32 v13, $0x0  }
0x40: {  	v63 =	vld [tilespmem:s31+$0x0];
	vm2 =	veq.s32 v11, $0x0  }
0x41: {  	[tilespmem:v9+s8+$0x0] =	vst.idx.add.f32.msk vm0, v6;
	vm0 =	veq.s32 v10, $0x0  }
0x42: {  	vm3 =	veq.s32 v7, $0x0;
	v7 =	vld [tilespmem:s31+$0xFFFFFF80]  }
0x43: {  	[tilespmem:v14+s8+$0x0] =	vst.idx.add.f32.msk vm1, v6  }
0x44: {  	[tilespmem:v61+s8+$0x0] =	vst.idx.add.f32.msk vm4, v6  }
0x45: {  	[tilespmem:v62+s8+$0x0] =	vst.idx.add.f32.msk vm5, v6  }
0x46: {  	[tilespmem:v8+s8+$0x0] =	vst.idx.add.f32.msk vm2, v6  }
0x47: {  	[tilespmem:v15+s8+$0x0] =	vst.idx.add.f32.msk vm0, v6;
	vm0 =	veq.s32 v63, $0x0  }
0x48: {  	s14 =	simm.s32 $0x180;
	s13 =	simm.s32 $0x0;
	[tilespmem:v60+s8+$0x0] =	vst.idx.add.f32.msk vm3, v6;
	vm0 =	vmmov vm0  }
.LBB2_4:
0x49: {  	v8 =	vld [tilespmem:s14+$0x70];
	s13 =	sadd.s32 $0x8, s13  }
0x4a: {  	v9 =	vld [tilespmem:s14+$0x0];
	p2 =	slt.u32 s13, $0x268  }
0x4b: {  	v10 =	vld [tilespmem:s14+$0x10]  }
0x4c: {  	v11 =	vld [tilespmem:s14+$0xFFFFFFF0]  }
0x4d: {  	v12 =	vld [tilespmem:s14+$0x20]  }
0x4e: {  	v13 =	vld [tilespmem:s14+$0x30];
	vm1 =	veq.s32 v8, $0x0  }
0x4f: {  	vm2 =	veq.s32 v9, $0x0;
	v8 =	vld [tilespmem:s14+$0x40]  }
0x50: {  	vm3 =	veq.s32 v10, $0x0;
	v9 =	vld [tilespmem:s14+$0x50]  }
0x51: {  	v10 =	vld [tilespmem:s14+$0x60]  }
0x52: {  	v14 =	vld [tilespmem:s14+$0xFFFFFF90];
	vm4 =	veq.s32 v12, $0x0  }
0x53: {  	v12 =	vld [tilespmem:s14+$0xFFFFFFA0];
	vm5 =	veq.s32 v13, $0x0  }
0x54: {  	vm6 =	veq.s32 v8, $0x0;
	[tilespmem:v11+s8+$0x0] =	vst.idx.add.f32.msk vm1, v6  }
0x55: {  	v8 =	vld [tilespmem:s14+$0xFFFFFFB0];
	vm1 =	veq.s32 v9, $0x0  }
0x56: {  	v9 =	vld [tilespmem:s14+$0xFFFFFFC0];
	vm7 =	veq.s32 v10, $0x0  }
0x57: {  	v10 =	vld [tilespmem:s14+$0xFFFFFFD0]  }
0x58: {  	v11 =	vld [tilespmem:s14+$0xFFFFFFE0]  }
0x59: {  	v13 =	vld [tilespmem:s14+$0xFFFFFF80]  }
0x5a: {  	[tilespmem:v7+s8+$0x0] =	vst.idx.add.f32.msk vm0, v6;
	vm0 =	vmmov vm2  }
0x5b: {  	[tilespmem:v14+s8+$0x0] =	vst.idx.add.f32.msk vm3, v6  }
.Ltmp1:
0x5c: {  	[tilespmem:v12+s8+$0x0] =	vst.idx.add.f32.msk vm4, v6;
	(pc) =	sbr.rel @p2 .LBB2_4-.Ltmp1, $4  }
0x5d: {  	[tilespmem:v8+s8+$0x0] =	vst.idx.add.f32.msk vm5, v6  }
0x5e: {  	[tilespmem:v9+s8+$0x0] =	vst.idx.add.f32.msk vm6, v6;
	v7 =	vmov v13  }
0x5f: {  	[tilespmem:v10+s8+$0x0] =	vst.idx.add.f32.msk vm1, v6  }
0x60: {  	s14 =	sadd.s32 $0x100, s14;
	[tilespmem:v11+s8+$0x0] =	vst.idx.add.f32.msk vm7, v6  }
0x61: {  	_ =	sdelay $0x4  }
0x62: {  	[tilespmem:v7+s8+$0x0] =	vst.idx.add.f32.msk vm0, v6  }
0x63: {  	v7 =	vld @!p1 [tilespmem:$0x4E80];
	_ =	sdelay $0x2  }
0x64: {  	v8 =	vld @!p1 [tilespmem:$0x4E00];
	_ =	sdelay $0x1  }
0x65: {  	vm0 =	veq.s32 @!p1 v7, $0x0;
	_ =	sdelay $0x4  }
0x66: {  	s13 =	simm.s32 @!p1 $0x4F00;
	v7 =	vimm.f32 @!p1 $1.000000000e+00  }
0x67: {  	[tilespmem:v8+s13+$0x0] =	vst.idx.add.f32.msk @!p1 vm0, v7  }
0x68: {  	v8 =	vld @!p1 [tilespmem:$0x4E90];
	_ =	sdelay $0x2  }
0x69: {  	v9 =	vld @!p1 [tilespmem:$0x4E10];
	_ =	sdelay $0x1  }
0x6a: {  	vm0 =	veq.s32 @!p1 v8, $0x0;
	_ =	sdelay $0x5  }
0x6b: {  	[tilespmem:v9+s13+$0x0] =	vst.idx.add.f32.msk @!p1 vm0, v7  }
0x6c: {  	v8 =	vld @!p1 [tilespmem:$0x4EA0];
	_ =	sdelay $0x2  }
0x6d: {  	v9 =	vld @!p1 [tilespmem:$0x4E20];
	_ =	sdelay $0x1  }
0x6e: {  	vm0 =	veq.s32 @!p1 v8, $0x0;
	_ =	sdelay $0x5  }
0x6f: {  	[tilespmem:v9+s13+$0x0] =	vst.idx.add.f32.msk @!p1 vm0, v7  }
0x70: {  	v8 =	vld @!p1 [tilespmem:$0x4EB0];
	_ =	sdelay $0x2  }
0x71: {  	v9 =	vld @!p1 [tilespmem:$0x4E30];
	_ =	sdelay $0x1  }
0x72: {  	vm0 =	veq.s32 @!p1 v8, $0x0;
	_ =	sdelay $0x5  }
0x73: {  	[tilespmem:v9+s13+$0x0] =	vst.idx.add.f32.msk @!p1 vm0, v7  }
0x74: {  	v8 =	vld @!p1 [tilespmem:$0x4EC0];
	_ =	sdelay $0x2  }
0x75: {  	v9 =	vld @!p1 [tilespmem:$0x4E40];
	_ =	sdelay $0x1  }
0x76: {  	vm0 =	veq.s32 @!p1 v8, $0x0;
	_ =	sdelay $0x5  }
0x77: {  	[tilespmem:v9+s13+$0x0] =	vst.idx.add.f32.msk @!p1 vm0, v7  }
0x78: {  	v8 =	vld @!p1 [tilespmem:$0x4ED0];
	_ =	sdelay $0x2  }
0x79: {  	v9 =	vld @!p1 [tilespmem:$0x4E50];
	_ =	sdelay $0x1  }
0x7a: {  	vm0 =	veq.s32 @!p1 v8, $0x0;
	_ =	sdelay $0x5  }
0x7b: {  	[tilespmem:v9+s13+$0x0] =	vst.idx.add.f32.msk @!p1 vm0, v7  }
0x7c: {  	v8 =	vld @!p1 [tilespmem:$0x4EE0];
	_ =	sdelay $0x2  }
0x7d: {  	v9 =	vld @!p1 [tilespmem:$0x4E60];
	_ =	sdelay $0x1  }
0x7e: {  	vm0 =	veq.s32 @!p1 v8, $0x0;
	_ =	sdelay $0x5  }
0x7f: {  	[tilespmem:v9+s13+$0x0] =	vst.idx.add.f32.msk @!p1 vm0, v7  }
0x80: {  	v8 =	vld @!p1 [tilespmem:$0x4EF0];
	_ =	sdelay $0x2  }
0x81: {  	v9 =	vld @!p1 [tilespmem:$0x4E70];
	_ =	sdelay $0x1  }
0x82: {  	vm0 =	veq.s32 @!p1 v8, $0x0;
	_ =	sdelay $0x5  }
0x83: {  	[tilespmem:v9+s13+$0x0] =	vst.idx.add.f32.msk @!p1 vm0, v7  }
0x84: {  	[spmem:s1] =	stream.indirect.scatter.add.f32 [tilespmem:s8], [sflag:$0x1], $0x80, s10, s9, $0xb8;
	[tilespmem:$0x7A00] =	vst v63  }
0x85: {  	_ =	swait.ge [sflag:s7], $0x2800  }
0x86: {  	[sflag:s7] =	ssyncset.done $0x0  }
0x87: {  	s12 =	sadd.s32 $0x1, s12;
	[sflag:s7] =	ssyncadd.s32 $0xFFFFD800  }
0x88: {  	p2 =	sne.s32 s12, s6;
	s13 =	simm.s32 @!p0 $0x1C01;
	[bflag:$0x0] =	sbarrier.arrive $0xFFFF  }
0x89: {  	[hbm:s5], [sflag:s13] =	dma.local @!p0 [spmem:s11], $0x500  }
.Ltmp2:
0x8a: {  	_ = 	snop;
	(pc) =	sbr.rel @p2 .LBB2_1-.Ltmp2, $4  }
0x8b: {  	s13 =	simm.s32 @!p0 $0x1  }
0x8c: {  	_ =	swait.ge @!p0 [sflag:s13], $0x500  }
0x8d: {  	[sflag:s13] =	ssyncset.done @!p0 $0x0  }
0x8e: {  	[sflag:s13] =	ssyncadd.s32 @!p0 $0xFFFFFB00  }
0x8f: {  	_ =	sfence.sel $0x180000  }
0x90: {  	[bflag:$0x0] =	sbarrier.arrive $0xFFFF  }
0x91: {  	_ =	strace $0x90000047  }
0x92: {  	s0 =	sadd.s32 @!p0 $0x100000, s0;
	[bflag:$0x2] =	sbarrier.arrive $0xFFFF  }
0x93: {  	[sflag:s0] =	ssyncadd.tile.s32 @!p0 $0x1;
	_ =	shalt  }
.Lfunc_end2:
_tile_overlayer_lowered:
.L_overlay_start_2:
0x94: {  	(tag) =	ssettag $0x2  }
0x95: {  	s0 =	rddreg [dreg:$0x0];
	s2 =	stileid.u32  }
0x96: {  	s1 =	rddreg [dreg:$0x1];
	p0 =	sne.s32 s2, $0x0  }
0x97: {  	s3 =	rddreg [dreg:$0x2];
	[bflag:$0x3] =	sbarrier.arrive $0xFFFF;
	s2 =	simm.s32 @!p0 $0x1C01  }
0x98: {  	[timem:s3], [sflag:s2] =	dma.local @!p0 [hbm:s0], s1  }
0x99: {  	s0 =	simm.s32 @!p0 $0x1  }
0x9a: {  	_ =	swait.ge @!p0 [sflag:s0], s1  }
0x9b: {  	s1 =	ssub.s32 @!p0 $0x0, s1;
	[sflag:s0] =	ssyncset.done @!p0 $0x0  }
0x9c: {  	[sflag:s0] =	ssyncadd.s32 @!p0 s1  }
0x9d: {  	[bflag:$0x3] =	sbarrier.arrive $0xFFFF  }
0x9e: {  	_ =	shalt  }

</sc_bundles>
